<compile_context>
chip_gen: v7x
topology: tpu7x:2x2x1
jax: 0.10.2.dev20260603
libtpu: 0.0.44.dev20260713+nightly
codegen_flags: <defaults>
</compile_context>

<pallas_src>
import functools

import jax
import jax.numpy as jnp
from jax import lax
from jax.experimental import pallas as pl
from jax.experimental.pallas import tpu as pltpu
from jax.experimental.pallas import tpu_sc as plsc

N_NODES = 50000
D_FEAT = 256
NUM_CLUSTERS = 12500

NSC = 2
NT = 16
LANES = 16
HD = D_FEAT // NSC
HV = HD // LANES
SL = 8
NRT = N_NODES // SL
RPT = 3128
RPT_LAST = N_NODES - (NT - 1) * RPT
SUB = 64
NSUB = 48
TAIL = RPT - NSUB * SUB
TAIL_L = RPT_LAST - NSUB * SUB
CW = 16
CPAD = 12544
CPT = CPAD // NT
NZ = CPT // SUB
ZTAIL = CPT - NZ * SUB


def _sc_body(x_hbm, cm_hbm, sums_hbm, cnts_hbm,
             acc, cacc, ids, xba, xbb, ones, sxa, sxb, semc):
    c = lax.axis_index("c")
    s = lax.axis_index("s")
    base = s * RPT
    base_rt = s * (RPT // SL)

    zeros16 = jnp.zeros((LANES,), jnp.float32)
    czero2 = jnp.zeros((2, CW), jnp.int16)
    cone2 = jnp.ones((2, CW), jnp.int16)

    def zero_bufs(r, _):
        def zv(v, _):
            xba[r, pl.ds(v * LANES, LANES)] = zeros16
            return 0
        lax.fori_loop(0, HV, zv, 0)
        ones[pl.ds(2 * r, 2), :] = czero2
        return 0
    lax.fori_loop(0, SUB, zero_bufs, 0)

    def zero_acc(k, _):
        b = s * CPT + k * SUB
        pltpu.sync_copy(xba, acc.at[pl.ds(b, SUB)])
        pltpu.sync_copy(ones, cacc.at[pl.ds(b, SUB)])
        return 0
    lax.fori_loop(0, NZ, zero_acc, 0)
    tb = s * CPT + NZ * SUB
    pltpu.sync_copy(xba.at[pl.ds(0, ZTAIL)], acc.at[pl.ds(tb, ZTAIL)])
    pltpu.sync_copy(ones.at[pl.ds(0, ZTAIL)], cacc.at[pl.ds(tb, ZTAIL)])

    def fill_ones(i, _):
        ones[pl.ds(2 * i, 2), :] = cone2
        return 0
    lax.fori_loop(0, SUB // 2, fill_ones, 0)

    @pl.when(s < NT - 1)
    def _():
        pltpu.sync_copy(cm_hbm.at[pl.ds(base, RPT)], ids)

    @pl.when(s == NT - 1)
    def _():
        pltpu.sync_copy(cm_hbm.at[pl.ds(base, RPT_LAST)],
                        ids.at[pl.ds(0, RPT_LAST)])

    plsc.subcore_barrier()

    def load_sub(k, buf, sem):
        def ld(m, _):
            pltpu.async_copy(x_hbm.at[base_rt + k * SL + m, c],
                             buf.at[pl.ds(SL * m, SL)], sem)
            return 0
        lax.fori_loop(0, SL, ld, 0)

    def wait_sub(buf, sem):
        def wt(m, _):
            pltpu.make_async_copy(x_hbm.at[base_rt, c],
                                  buf.at[pl.ds(SL * m, SL)], sem).wait()
            return 0
        lax.fori_loop(0, SL, wt, 0)

    load_sub(0, xba, sxa)

    def accum(j, _):
        ka = 2 * j
        kb = 2 * j + 1
        load_sub(kb, xbb, sxb)
        wait_sub(xba, sxa)
        pltpu.sync_copy(xba, acc.at[ids.at[pl.ds(ka * SUB, SUB)]], add=True)
        pltpu.async_copy(ones, cacc.at[ids.at[pl.ds(ka * SUB, SUB)]],
                         semc, add=True)
        kn = jnp.minimum(ka + 2, NSUB - 1)
        load_sub(kn, xba, sxa)
        wait_sub(xbb, sxb)
        pltpu.sync_copy(xbb, acc.at[ids.at[pl.ds(kb * SUB, SUB)]], add=True)
        pltpu.async_copy(ones, cacc.at[ids.at[pl.ds(kb * SUB, SUB)]],
                         semc, add=True)
        return 0
    lax.fori_loop(0, NSUB // 2, accum, 0)
    wait_sub(xba, sxa)

    def drain_counts(k, _):
        pltpu.make_async_copy(ones, cacc.at[ids.at[pl.ds(0, SUB)]],
                              semc).wait()
        return 0
    lax.fori_loop(0, NSUB, drain_counts, 0)

    trt = base_rt + NSUB * SL

    @pl.when(s < NT - 1)
    def _():
        def ld(m, _):
            pltpu.async_copy(x_hbm.at[trt + m, c],
                             xba.at[pl.ds(SL * m, SL)], sxa)
            return 0
        lax.fori_loop(0, TAIL // SL, ld, 0)

        def wt(m, _):
            pltpu.make_async_copy(x_hbm.at[trt, c],
                                  xba.at[pl.ds(SL * m, SL)], sxa).wait()
            return 0
        lax.fori_loop(0, TAIL // SL, wt, 0)
        isl = ids.at[pl.ds(NSUB * SUB, TAIL)]
        pltpu.sync_copy(xba.at[pl.ds(0, TAIL)], acc.at[isl], add=True)
        pltpu.sync_copy(ones.at[pl.ds(0, TAIL)], cacc.at[isl], add=True)

    @pl.when(s == NT - 1)
    def _():
        pltpu.sync_copy(x_hbm.at[trt, c], xba.at[pl.ds(0, TAIL_L)])
        isl = ids.at[pl.ds(NSUB * SUB, TAIL_L)]
        pltpu.sync_copy(xba.at[pl.ds(0, TAIL_L)], acc.at[isl], add=True)
        pltpu.sync_copy(ones.at[pl.ds(0, TAIL_L)], cacc.at[isl], add=True)

    plsc.subcore_barrier()

    sl = pl.ds(s * CPT, CPT)
    pltpu.sync_copy(acc.at[sl], sums_hbm.at[c, sl])

    @pl.when(c == 0)
    def _():
        pltpu.sync_copy(cacc.at[sl], cnts_hbm.at[sl])


def _tc_divide(sums_ref, cnts_ref, out_ref):
    cnt = cnts_ref[:, 0:1].astype(jnp.int32) & 0xFFFF
    inv = 1.0 / jnp.maximum(cnt.astype(jnp.float32), 1.0)
    out_ref[:, :HD] = sums_ref[0] * inv
    out_ref[:, HD:] = sums_ref[1] * inv


@jax.jit
def _pooled(x4, cm):
    mesh = plsc.VectorSubcoreMesh(core_axis_name="c", subcore_axis_name="s")
    f = functools.partial(
        pl.kernel,
        mesh=mesh,
        out_type=(
            jax.ShapeDtypeStruct((NSC, CPAD, HD), jnp.float32),
            jax.ShapeDtypeStruct((CPAD, CW), jnp.int16),
        ),
        scratch_types=[
            pltpu.VMEM_SHARED((CPAD, HD), jnp.float32),
            pltpu.VMEM_SHARED((CPAD, CW), jnp.int16),
            pltpu.VMEM((RPT,), jnp.int32),
            pltpu.VMEM((SUB, HD), jnp.float32),
            pltpu.VMEM((SUB, HD), jnp.float32),
            pltpu.VMEM((SUB, CW), jnp.int16),
            pltpu.SemaphoreType.DMA,
            pltpu.SemaphoreType.DMA,
            pltpu.SemaphoreType.DMA,
        ],
        compiler_params=pltpu.CompilerParams(
            use_tc_tiling_on_sc=False, needs_layout_passes=False
        ),
    )(_sc_body)
    sums, cnts = f(x4, cm)

    blk = 16 * CPT
    out = pl.pallas_call(
        _tc_divide,
        grid=(CPAD // blk,),
        in_specs=[
            pl.BlockSpec((NSC, blk, HD), lambda i: (0, i, 0)),
            pl.BlockSpec((blk, CW), lambda i: (i, 0)),
        ],
        out_specs=pl.BlockSpec((blk, D_FEAT), lambda i: (i, 0)),
        out_shape=jax.ShapeDtypeStruct((NUM_CLUSTERS, D_FEAT), jnp.float32),
    )(sums, cnts)
    return out


def kernel(x, cluster_map, edge_index):
    x4 = x.reshape(NRT, SL, NSC, HD).transpose(0, 2, 1, 3)
    return _pooled(x4, cluster_map), edge_index

# --- scband reference (transcript-rebuilt; emitter-appended) ---
"""Pipeline reference for scband-cluster-pooling-59141699666446 (READ-ONLY COPY).

The authoritative reference and input builder live on the scoring server;
editing this copy changes nothing except your own understanding.
"""

import jax, jax.numpy as jnp
import numpy as np

N_NODES = 50000
D_FEAT = 256
NUM_CLUSTERS = 12500
N_COARSE_EDGES = 200000


def setup_inputs(seed: int = 0) -> dict:
    key = jax.random.key(seed)
    k1, k2, k3 = jax.random.split(key, 3)
    x = jax.random.normal(k1, (N_NODES, D_FEAT), dtype=jnp.float32)
    cluster_map = jnp.sort(jax.random.randint(k2, (N_NODES,), 0, NUM_CLUSTERS, dtype=jnp.int32))
    edge_index = jax.random.randint(k3, (2, N_COARSE_EDGES), 0, NUM_CLUSTERS, dtype=jnp.int32)
    return {"x": x, "cluster_map": cluster_map, "edge_index": edge_index}


def reference(x, cluster_map, edge_index):
    # ClusterPooling.forward: data.x = scatter(data.x, cluster_map, dim=0, reduce='mean')
    #                         data.edge_index = coarse edge_index
    sums = jax.ops.segment_sum(x, cluster_map, num_segments=NUM_CLUSTERS)
    counts = jax.ops.segment_sum(jnp.ones((x.shape[0],), dtype=x.dtype), cluster_map, num_segments=NUM_CLUSTERS)
    pooled_x = sums / jnp.maximum(counts, 1.0)[:, None]
    return pooled_x, edge_index

if __name__ == "__main__":
    import jax
    _d = setup_inputs()
    print(jax.jit(kernel)(*tuple(_d.values())))

</pallas_src>

<mosaic_0001>
#map = affine_map<(d0, d1) -> (0, 0, 0, 0)>
#map1 = affine_map<(d0, d1) -> (0)>
#map2 = affine_map<(d0, d1) -> (0, 0, 0)>
#map3 = affine_map<(d0, d1) -> (0, 0)>
module attributes {stable_mosaic.version = 14 : i64} {
  func.func @_sc_body(%arg0: i32, %arg1: i32, %arg2: memref<6250x2x8x128xf32, #tpu.memory_space<hbm>>, %arg3: memref<50000xi32, #tpu.memory_space<hbm>>, %arg4: memref<2x12544x128xf32, #tpu.memory_space<hbm>>, %arg5: memref<12544x16xi16, #tpu.memory_space<hbm>>, %arg6: memref<12544x128xf32, #tpu.memory_space<vmem_shared>>, %arg7: memref<12544x16xi16, #tpu.memory_space<vmem_shared>>, %arg8: memref<3128xi32, #tpu.memory_space<vmem>>, %arg9: memref<64x128xf32, #tpu.memory_space<vmem>>, %arg10: memref<64x128xf32, #tpu.memory_space<vmem>>, %arg11: memref<64x16xi16, #tpu.memory_space<vmem>>, %arg12: memref<!tpu.dma_semaphore, #tpu.memory_space<semaphore_mem>>, %arg13: memref<!tpu.dma_semaphore, #tpu.memory_space<semaphore_mem>>, %arg14: memref<!tpu.dma_semaphore, #tpu.memory_space<semaphore_mem>>) attributes {dimension_semantics = [#tpu.dimension_semantics<core_parallel>, #tpu.dimension_semantics<subcore_parallel>], iteration_bounds = array<i64: 2, 16>, scalar_prefetch = 0 : i64, scratch_operands = 9 : i64, tpu.core_type = #tpu.core_type<sc_vector_subcore>, window_params = [{transform_indices = #map}, {transform_indices = #map1}, {transform_indices = #map2}, {transform_indices = #map3}]} {
    %mul3A = arith.constant 3128 : i32
    %mul3A_0 = arith.muli %arg1, %mul3A : i32
    %mul3A_1 = arith.constant 391 : i32
    %mul3A_2 = arith.muli %arg1, %mul3A_1 : i32
    %broadcast_in_dim3A = arith.constant 0.000000e+00 : f32
    %broadcast_in_dim3A_3 = vector.broadcast %broadcast_in_dim3A : f32 to vector<16xf32>
    %broadcast_in_dim3A_4 = arith.constant 0 : i16
    %broadcast_in_dim3A_5 = vector.broadcast %broadcast_in_dim3A_4 : i16 to vector<2x16xi16>
    %broadcast_in_dim3A_6 = arith.constant 1 : i16
    %broadcast_in_dim3A_7 = vector.broadcast %broadcast_in_dim3A_6 : i16 to vector<2x16xi16>
    %scan3A = arith.constant 0 : i32
    %scan3A_8 = arith.constant 0 : i32
    %scan3A_9 = arith.constant 64 : i32
    %scan3A_10 = arith.addi %scan3A_8, %scan3A_9 : i32
    %scan3A_11 = arith.constant 1 : i32
    %scan3A_12 = scf.for %scan3A_85 = %scan3A_8 to %scan3A_10 step %scan3A_11 iter_args(%scan3A_86 = %scan3A) -> (i32)  : i32 {
      %scan3A_87 = arith.constant 0 : i32
      %scan3A_88 = arith.constant 0 : i32
      %scan3A_89 = arith.constant 8 : i32
      %scan3A_90 = arith.addi %scan3A_88, %scan3A_89 : i32
      %scan3A_91 = arith.constant 1 : i32
      %scan3A_92 = scf.for %scan3A_99 = %scan3A_88 to %scan3A_90 step %scan3A_91 iter_args(%scan3A_100 = %scan3A_87) -> (i32)  : i32 {
        %mul3A_101 = arith.constant 16 : i32
        %mul3A_102 = arith.muli %scan3A_99, %mul3A_101 : i32
        %swap3A_103 = arith.index_cast %scan3A_85 : i32 to index
        %swap3A_104 = arith.index_cast %mul3A_102 : i32 to index
        %swap3A_105 = tpu.vector_load %arg9[%swap3A_103, %swap3A_104] {strides = array<i32>} : memref<64x128xf32, #tpu.memory_space<vmem>>, vector<16xf32>,
        tpu.vector_store %arg9[%swap3A_103, %swap3A_104], %broadcast_in_dim3A_3 {strides = array<i32>} : memref<64x128xf32, #tpu.memory_space<vmem>>, vector<16xf32>,
        %scan3A_106 = arith.constant 0 : i32
        scf.yield %scan3A_106 : i32
      }
      %scan3A_93 = arith.constant 8 : i32
      %mul3A_94 = arith.constant 2 : i32
      %mul3A_95 = arith.muli %mul3A_94, %scan3A_85 : i32
      %swap3A = arith.index_cast %mul3A_95 : i32 to index
      %swap3A_96 = arith.constant 0 : index
      %swap3A_97 = tpu.vector_load %arg11[%swap3A, %swap3A_96] {strides = array<i32>} : memref<64x16xi16, #tpu.memory_space<vmem>>, vector<2x16xi16>,
      tpu.vector_store %arg11[%swap3A, %swap3A_96], %broadcast_in_dim3A_5 {strides = array<i32>} : memref<64x16xi16, #tpu.memory_space<vmem>>, vector<2x16xi16>,
      %scan3A_98 = arith.constant 0 : i32
      scf.yield %scan3A_98 : i32
    }
    %scan3A_13 = arith.constant 64 : i32
    %scan3A_14 = arith.constant 0 : i32
    %scan3A_15 = arith.constant 0 : i32
    %scan3A_16 = arith.constant 12 : i32
    %scan3A_17 = arith.addi %scan3A_15, %scan3A_16 : i32
    %scan3A_18 = arith.constant 1 : i32
    %scan3A_19 = scf.for %scan3A_85 = %scan3A_15 to %scan3A_17 step %scan3A_18 iter_args(%scan3A_86 = %scan3A_14) -> (i32)  : i32 {
      %mul3A_87 = arith.constant 784 : i32
      %mul3A_88 = arith.muli %arg1, %mul3A_87 : i32
      %mul3A_89 = arith.constant 64 : i32
      %mul3A_90 = arith.muli %scan3A_85, %mul3A_89 : i32
      %add3A_91 = arith.addi %mul3A_88, %mul3A_90 : i32
      "tpu.region"() ({
        %run_scoped3A = tpu.sem_alloc : memref<!tpu.dma_semaphore, #tpu.memory_space<semaphore_mem>>
        %dma_start3A = arith.constant 0 : i32
        %dma_start3A_93 = tpu.memref_slice %arg6[%add3A_91, %dma_start3A] : memref<12544x128xf32, #tpu.memory_space<vmem_shared>> -> memref<64x128xf32, #tpu.memory_space<vmem_shared>>
        %dma_start3A_94 = arith.constant 0 : i32
        %dma_start3A_95 = tpu.memref_slice %arg6[%add3A_91, %dma_start3A_94] : memref<12544x128xf32, #tpu.memory_space<vmem_shared>> -> memref<64x128xf32, #tpu.memory_space<vmem_shared>>
        tpu.enqueue_dma source(%arg9 : memref<64x128xf32, #tpu.memory_space<vmem>>) target(%dma_start3A_95 : memref<64x128xf32, #tpu.memory_space<vmem_shared>>) target_semaphore(%run_scoped3A : memref<!tpu.dma_semaphore, #tpu.memory_space<semaphore_mem>>)
        %dma_wait3A = arith.constant 0 : i32
        %dma_wait3A_96 = tpu.memref_slice %arg6[%add3A_91, %dma_wait3A] : memref<12544x128xf32, #tpu.memory_space<vmem_shared>> -> memref<64x128xf32, #tpu.memory_space<vmem_shared>>
        %dma_wait3A_97 = arith.constant 0 : i32
        %dma_wait3A_98 = tpu.memref_slice %arg6[%add3A_91, %dma_wait3A_97] : memref<12544x128xf32, #tpu.memory_space<vmem_shared>> -> memref<64x128xf32, #tpu.memory_space<vmem_shared>>
        tpu.wait_dma2 semaphore(%run_scoped3A : memref<!tpu.dma_semaphore, #tpu.memory_space<semaphore_mem>>) src(%arg9 : memref<64x128xf32, #tpu.memory_space<vmem>>) dst(%dma_wait3A_98 : memref<64x128xf32, #tpu.memory_space<vmem_shared>>)
        tpu.yield
      }) : () -> ()
      "tpu.region"() ({
        %run_scoped3A = tpu.sem_alloc : memref<!tpu.dma_semaphore, #tpu.memory_space<semaphore_mem>>
        %dma_start3A = arith.constant 0 : i32
        %dma_start3A_93 = tpu.memref_slice %arg7[%add3A_91, %dma_start3A] : memref<12544x16xi16, #tpu.memory_space<vmem_shared>> -> memref<64x16xi16, #tpu.memory_space<vmem_shared>>
        %dma_start3A_94 = arith.constant 0 : i32
        %dma_start3A_95 = tpu.memref_slice %arg7[%add3A_91, %dma_start3A_94] : memref<12544x16xi16, #tpu.memory_space<vmem_shared>> -> memref<64x16xi16, #tpu.memory_space<vmem_shared>>
        tpu.enqueue_dma source(%arg11 : memref<64x16xi16, #tpu.memory_space<vmem>>) target(%dma_start3A_95 : memref<64x16xi16, #tpu.memory_space<vmem_shared>>) target_semaphore(%run_scoped3A : memref<!tpu.dma_semaphore, #tpu.memory_space<semaphore_mem>>)
        %dma_wait3A = arith.constant 0 : i32
        %dma_wait3A_96 = tpu.memref_slice %arg7[%add3A_91, %dma_wait3A] : memref<12544x16xi16, #tpu.memory_space<vmem_shared>> -> memref<64x16xi16, #tpu.memory_space<vmem_shared>>
        %dma_wait3A_97 = arith.constant 0 : i32
        %dma_wait3A_98 = tpu.memref_slice %arg7[%add3A_91, %dma_wait3A_97] : memref<12544x16xi16, #tpu.memory_space<vmem_shared>> -> memref<64x16xi16, #tpu.memory_space<vmem_shared>>
        tpu.wait_dma2 semaphore(%run_scoped3A : memref<!tpu.dma_semaphore, #tpu.memory_space<semaphore_mem>>) src(%arg11 : memref<64x16xi16, #tpu.memory_space<vmem>>) dst(%dma_wait3A_98 : memref<64x16xi16, #tpu.memory_space<vmem_shared>>)
        tpu.yield
      }) : () -> ()
      %scan3A_92 = arith.constant 0 : i32
      scf.yield %scan3A_92 : i32
    }
    %scan3A_20 = arith.constant 12 : i32
    %mul3A_21 = arith.constant 784 : i32
    %mul3A_22 = arith.muli %arg1, %mul3A_21 : i32
    %add3A = arith.constant 768 : i32
    %add3A_23 = arith.addi %mul3A_22, %add3A : i32
    "tpu.region"() ({
      %run_scoped3A = tpu.sem_alloc : memref<!tpu.dma_semaphore, #tpu.memory_space<semaphore_mem>>
      %dma_start3A = arith.constant 0 : i32
      %dma_start3A_85 = arith.constant 0 : i32
      %dma_start3A_86 = tpu.memref_slice %arg9[%dma_start3A, %dma_start3A_85] : memref<64x128xf32, #tpu.memory_space<vmem>> -> memref<16x128xf32, #tpu.memory_space<vmem>>
      %dma_start3A_87 = arith.constant 0 : i32
      %dma_start3A_88 = tpu.memref_slice %arg6[%add3A_23, %dma_start3A_87] : memref<12544x128xf32, #tpu.memory_space<vmem_shared>> -> memref<16x128xf32, #tpu.memory_space<vmem_shared>>
      %dma_start3A_89 = arith.constant 0 : i32
      %dma_start3A_90 = tpu.memref_slice %arg6[%add3A_23, %dma_start3A_89] : memref<12544x128xf32, #tpu.memory_space<vmem_shared>> -> memref<16x128xf32, #tpu.memory_space<vmem_shared>>
      %dma_start3A_91 = arith.constant 0 : i32
      %dma_start3A_92 = arith.constant 0 : i32
      %dma_start3A_93 = tpu.memref_slice %arg9[%dma_start3A_91, %dma_start3A_92] : memref<64x128xf32, #tpu.memory_space<vmem>> -> memref<16x128xf32, #tpu.memory_space<vmem>>
      tpu.enqueue_dma source(%dma_start3A_93 : memref<16x128xf32, #tpu.memory_space<vmem>>) target(%dma_start3A_90 : memref<16x128xf32, #tpu.memory_space<vmem_shared>>) target_semaphore(%run_scoped3A : memref<!tpu.dma_semaphore, #tpu.memory_space<semaphore_mem>>)
      %dma_wait3A = arith.constant 0 : i32
      %dma_wait3A_94 = arith.constant 0 : i32
      %dma_wait3A_95 = tpu.memref_slice %arg9[%dma_wait3A, %dma_wait3A_94] : memref<64x128xf32, #tpu.memory_space<vmem>> -> memref<16x128xf32, #tpu.memory_space<vmem>>
      %dma_wait3A_96 = arith.constant 0 : i32
      %dma_wait3A_97 = tpu.memref_slice %arg6[%add3A_23, %dma_wait3A_96] : memref<12544x128xf32, #tpu.memory_space<vmem_shared>> -> memref<16x128xf32, #tpu.memory_space<vmem_shared>>
      %dma_wait3A_98 = arith.constant 0 : i32
      %dma_wait3A_99 = tpu.memref_slice %arg6[%add3A_23, %dma_wait3A_98] : memref<12544x128xf32, #tpu.memory_space<vmem_shared>> -> memref<16x128xf32, #tpu.memory_space<vmem_shared>>
      %dma_wait3A_100 = arith.constant 0 : i32
      %dma_wait3A_101 = arith.constant 0 : i32
      %dma_wait3A_102 = tpu.memref_slice %arg9[%dma_wait3A_100, %dma_wait3A_101] : memref<64x128xf32, #tpu.memory_space<vmem>> -> memref<16x128xf32, #tpu.memory_space<vmem>>
      tpu.wait_dma2 semaphore(%run_scoped3A : memref<!tpu.dma_semaphore, #tpu.memory_space<semaphore_mem>>) src(%dma_wait3A_102 : memref<16x128xf32, #tpu.memory_space<vmem>>) dst(%dma_wait3A_99 : memref<16x128xf32, #tpu.memory_space<vmem_shared>>)
      tpu.yield
    }) : () -> ()
    "tpu.region"() ({
      %run_scoped3A = tpu.sem_alloc : memref<!tpu.dma_semaphore, #tpu.memory_space<semaphore_mem>>
      %dma_start3A = arith.constant 0 : i32
      %dma_start3A_85 = arith.constant 0 : i32
      %dma_start3A_86 = tpu.memref_slice %arg11[%dma_start3A, %dma_start3A_85] : memref<64x16xi16, #tpu.memory_space<vmem>> -> memref<16x16xi16, #tpu.memory_space<vmem>>
      %dma_start3A_87 = arith.constant 0 : i32
      %dma_start3A_88 = tpu.memref_slice %arg7[%add3A_23, %dma_start3A_87] : memref<12544x16xi16, #tpu.memory_space<vmem_shared>> -> memref<16x16xi16, #tpu.memory_space<vmem_shared>>
      %dma_start3A_89 = arith.constant 0 : i32
      %dma_start3A_90 = tpu.memref_slice %arg7[%add3A_23, %dma_start3A_89] : memref<12544x16xi16, #tpu.memory_space<vmem_shared>> -> memref<16x16xi16, #tpu.memory_space<vmem_shared>>
      %dma_start3A_91 = arith.constant 0 : i32
      %dma_start3A_92 = arith.constant 0 : i32
      %dma_start3A_93 = tpu.memref_slice %arg11[%dma_start3A_91, %dma_start3A_92] : memref<64x16xi16, #tpu.memory_space<vmem>> -> memref<16x16xi16, #tpu.memory_space<vmem>>
      tpu.enqueue_dma source(%dma_start3A_93 : memref<16x16xi16, #tpu.memory_space<vmem>>) target(%dma_start3A_90 : memref<16x16xi16, #tpu.memory_space<vmem_shared>>) target_semaphore(%run_scoped3A : memref<!tpu.dma_semaphore, #tpu.memory_space<semaphore_mem>>)
      %dma_wait3A = arith.constant 0 : i32
      %dma_wait3A_94 = arith.constant 0 : i32
      %dma_wait3A_95 = tpu.memref_slice %arg11[%dma_wait3A, %dma_wait3A_94] : memref<64x16xi16, #tpu.memory_space<vmem>> -> memref<16x16xi16, #tpu.memory_space<vmem>>
      %dma_wait3A_96 = arith.constant 0 : i32
      %dma_wait3A_97 = tpu.memref_slice %arg7[%add3A_23, %dma_wait3A_96] : memref<12544x16xi16, #tpu.memory_space<vmem_shared>> -> memref<16x16xi16, #tpu.memory_space<vmem_shared>>
      %dma_wait3A_98 = arith.constant 0 : i32
      %dma_wait3A_99 = tpu.memref_slice %arg7[%add3A_23, %dma_wait3A_98] : memref<12544x16xi16, #tpu.memory_space<vmem_shared>> -> memref<16x16xi16, #tpu.memory_space<vmem_shared>>
      %dma_wait3A_100 = arith.constant 0 : i32
      %dma_wait3A_101 = arith.constant 0 : i32
      %dma_wait3A_102 = tpu.memref_slice %arg11[%dma_wait3A_100, %dma_wait3A_101] : memref<64x16xi16, #tpu.memory_space<vmem>> -> memref<16x16xi16, #tpu.memory_space<vmem>>
      tpu.wait_dma2 semaphore(%run_scoped3A : memref<!tpu.dma_semaphore, #tpu.memory_space<semaphore_mem>>) src(%dma_wait3A_102 : memref<16x16xi16, #tpu.memory_space<vmem>>) dst(%dma_wait3A_99 : memref<16x16xi16, #tpu.memory_space<vmem_shared>>)
      tpu.yield
    }) : () -> ()
    %scan3A_24 = arith.constant 0 : i32
    %scan3A_25 = arith.constant 0 : i32
    %scan3A_26 = arith.constant 32 : i32
    %scan3A_27 = arith.addi %scan3A_25, %scan3A_26 : i32
    %scan3A_28 = arith.constant 1 : i32
    %scan3A_29 = scf.for %scan3A_85 = %scan3A_25 to %scan3A_27 step %scan3A_28 iter_args(%scan3A_86 = %scan3A_24) -> (i32)  : i32 {
      %mul3A_87 = arith.constant 2 : i32
      %mul3A_88 = arith.muli %mul3A_87, %scan3A_85 : i32
      %swap3A = arith.index_cast %mul3A_88 : i32 to index
      %swap3A_89 = arith.constant 0 : index
      %swap3A_90 = tpu.vector_load %arg11[%swap3A, %swap3A_89] {strides = array<i32>} : memref<64x16xi16, #tpu.memory_space<vmem>>, vector<2x16xi16>,
      tpu.vector_store %arg11[%swap3A, %swap3A_89], %broadcast_in_dim3A_7 {strides = array<i32>} : memref<64x16xi16, #tpu.memory_space<vmem>>, vector<2x16xi16>,
      %scan3A_91 = arith.constant 0 : i32
      scf.yield %scan3A_91 : i32
    }
    %scan3A_30 = arith.constant 32 : i32
    %lt3A = arith.constant 15 : i32
    %lt3A_31 = arith.cmpi slt, %arg1, %lt3A : i32
    %convert_element_type3A = arith.extui %lt3A_31 : i1 to i32
    %cond3A = arith.constant 0 : i32
    %cond3A_32 = arith.cmpi ne, %convert_element_type3A, %cond3A : i32
    scf.if %cond3A_32 {
      "tpu.region"() ({
        %run_scoped3A = tpu.sem_alloc : memref<!tpu.dma_semaphore, #tpu.memory_space<semaphore_mem>>
        %dma_start3A = tpu.memref_slice %arg3[%mul3A_0] : memref<50000xi32, #tpu.memory_space<hbm>> -> memref<3128xi32, #tpu.memory_space<hbm>>
        %dma_start3A_85 = tpu.memref_slice %arg3[%mul3A_0] : memref<50000xi32, #tpu.memory_space<hbm>> -> memref<3128xi32, #tpu.memory_space<hbm>>
        tpu.enqueue_dma source(%dma_start3A_85 : memref<3128xi32, #tpu.memory_space<hbm>>) target(%arg8 : memref<3128xi32, #tpu.memory_space<vmem>>) target_semaphore(%run_scoped3A : memref<!tpu.dma_semaphore, #tpu.memory_space<semaphore_mem>>)
        %dma_wait3A = tpu.memref_slice %arg3[%mul3A_0] : memref<50000xi32, #tpu.memory_space<hbm>> -> memref<3128xi32, #tpu.memory_space<hbm>>
        %dma_wait3A_86 = tpu.memref_slice %arg3[%mul3A_0] : memref<50000xi32, #tpu.memory_space<hbm>> -> memref<3128xi32, #tpu.memory_space<hbm>>
        tpu.wait_dma2 semaphore(%run_scoped3A : memref<!tpu.dma_semaphore, #tpu.memory_space<semaphore_mem>>) src(%dma_wait3A_86 : memref<3128xi32, #tpu.memory_space<hbm>>) dst(%arg8 : memref<3128xi32, #tpu.memory_space<vmem>>)
        tpu.yield
      }) : () -> ()
    } else {
    }
    %eq3A = arith.constant 15 : i32
    %eq3A_33 = arith.cmpi eq, %arg1, %eq3A : i32
    %convert_element_type3A_34 = arith.extui %eq3A_33 : i1 to i32
    %cond3A_35 = arith.constant 0 : i32
    %cond3A_36 = arith.cmpi ne, %convert_element_type3A_34, %cond3A_35 : i32
    scf.if %cond3A_36 {
      "tpu.region"() ({
        %run_scoped3A = tpu.sem_alloc : memref<!tpu.dma_semaphore, #tpu.memory_space<semaphore_mem>>
        %dma_start3A = arith.constant 0 : i32
        %dma_start3A_85 = tpu.memref_slice %arg8[%dma_start3A] : memref<3128xi32, #tpu.memory_space<vmem>> -> memref<3080xi32, #tpu.memory_space<vmem>>
        %dma_start3A_86 = tpu.memref_slice %arg3[%mul3A_0] : memref<50000xi32, #tpu.memory_space<hbm>> -> memref<3080xi32, #tpu.memory_space<hbm>>
        %dma_start3A_87 = arith.constant 0 : i32
        %dma_start3A_88 = tpu.memref_slice %arg8[%dma_start3A_87] : memref<3128xi32, #tpu.memory_space<vmem>> -> memref<3080xi32, #tpu.memory_space<vmem>>
        %dma_start3A_89 = tpu.memref_slice %arg3[%mul3A_0] : memref<50000xi32, #tpu.memory_space<hbm>> -> memref<3080xi32, #tpu.memory_space<hbm>>
        tpu.enqueue_dma source(%dma_start3A_89 : memref<3080xi32, #tpu.memory_space<hbm>>) target(%dma_start3A_88 : memref<3080xi32, #tpu.memory_space<vmem>>) target_semaphore(%run_scoped3A : memref<!tpu.dma_semaphore, #tpu.memory_space<semaphore_mem>>)
        %dma_wait3A = arith.constant 0 : i32
        %dma_wait3A_90 = tpu.memref_slice %arg8[%dma_wait3A] : memref<3128xi32, #tpu.memory_space<vmem>> -> memref<3080xi32, #tpu.memory_space<vmem>>
        %dma_wait3A_91 = tpu.memref_slice %arg3[%mul3A_0] : memref<50000xi32, #tpu.memory_space<hbm>> -> memref<3080xi32, #tpu.memory_space<hbm>>
        %dma_wait3A_92 = arith.constant 0 : i32
        %dma_wait3A_93 = tpu.memref_slice %arg8[%dma_wait3A_92] : memref<3128xi32, #tpu.memory_space<vmem>> -> memref<3080xi32, #tpu.memory_space<vmem>>
        %dma_wait3A_94 = tpu.memref_slice %arg3[%mul3A_0] : memref<50000xi32, #tpu.memory_space<hbm>> -> memref<3080xi32, #tpu.memory_space<hbm>>
        tpu.wait_dma2 semaphore(%run_scoped3A : memref<!tpu.dma_semaphore, #tpu.memory_space<semaphore_mem>>) src(%dma_wait3A_94 : memref<3080xi32, #tpu.memory_space<hbm>>) dst(%dma_wait3A_93 : memref<3080xi32, #tpu.memory_space<vmem>>)
        tpu.yield
      }) : () -> ()
    } else {
    }
    %barrier3A = arith.constant 0 : index
    tpu.barrier barrier_id(%barrier3A)
    %scan3A_37 = arith.constant 0 : i32
    %scan3A_38 = arith.constant 0 : i32
    %scan3A_39 = arith.constant 8 : i32
    %scan3A_40 = arith.addi %scan3A_38, %scan3A_39 : i32
    %scan3A_41 = arith.constant 1 : i32
    %scan3A_42 = scf.for %scan3A_85 = %scan3A_38 to %scan3A_40 step %scan3A_41 iter_args(%scan3A_86 = %scan3A_37) -> (i32)  : i32 {
      %add3A_87 = arith.constant 0 : i32
      %add3A_88 = arith.addi %mul3A_2, %add3A_87 : i32
      %add3A_89 = arith.addi %add3A_88, %scan3A_85 : i32
      %mul3A_90 = arith.constant 8 : i32
      %mul3A_91 = arith.muli %mul3A_90, %scan3A_85 : i32
      %dma_start3A = arith.constant 0 : i32
      %dma_start3A_92 = tpu.memref_slice %arg9[%mul3A_91, %dma_start3A] : memref<64x128xf32, #tpu.memory_space<vmem>> -> memref<8x128xf32, #tpu.memory_space<vmem>>
      %dma_start3A_93 = arith.constant 0 : i32
      %dma_start3A_94 = arith.constant 0 : i32
      %dma_start3A_95 = tpu.memref_slice %arg2[%add3A_89, %arg0, %dma_start3A_93, %dma_start3A_94] : memref<6250x2x8x128xf32, #tpu.memory_space<hbm>> -> memref<1x1x8x128xf32, #tpu.memory_space<hbm>>
      %dma_start3A_96 = tpu.memref_squeeze %dma_start3A_95 : memref<1x1x8x128xf32, #tpu.memory_space<hbm>> -> memref<8x128xf32, #tpu.memory_space<hbm>>
      %dma_start3A_97 = arith.constant 0 : i32
      %dma_start3A_98 = tpu.memref_slice %arg9[%mul3A_91, %dma_start3A_97] : memref<64x128xf32, #tpu.memory_space<vmem>> -> memref<8x128xf32, #tpu.memory_space<vmem>>
      %dma_start3A_99 = arith.constant 0 : i32
      %dma_start3A_100 = arith.constant 0 : i32
      %dma_start3A_101 = tpu.memref_slice %arg2[%add3A_89, %arg0, %dma_start3A_99, %dma_start3A_100] : memref<6250x2x8x128xf32, #tpu.memory_space<hbm>> -> memref<1x1x8x128xf32, #tpu.memory_space<hbm>>
      %dma_start3A_102 = tpu.memref_squeeze %dma_start3A_101 : memref<1x1x8x128xf32, #tpu.memory_space<hbm>> -> memref<8x128xf32, #tpu.memory_space<hbm>>
      tpu.enqueue_dma source(%dma_start3A_102 : memref<8x128xf32, #tpu.memory_space<hbm>>) target(%dma_start3A_98 : memref<8x128xf32, #tpu.memory_space<vmem>>) target_semaphore(%arg12 : memref<!tpu.dma_semaphore, #tpu.memory_space<semaphore_mem>>)
      %scan3A_103 = arith.constant 0 : i32
      scf.yield %scan3A_103 : i32
    }
    %scan3A_43 = arith.constant 8 : i32
    %scan3A_44 = arith.constant 0 : i32
    %scan3A_45 = arith.constant 0 : i32
    %scan3A_46 = arith.constant 24 : i32
    %scan3A_47 = arith.addi %scan3A_45, %scan3A_46 : i32
    %scan3A_48 = arith.constant 1 : i32
    %scan3A_49 = scf.for %scan3A_85 = %scan3A_45 to %scan3A_47 step %scan3A_48 iter_args(%scan3A_86 = %scan3A_44) -> (i32)  : i32 {
      %mul3A_87 = arith.constant 2 : i32
      %mul3A_88 = arith.muli %mul3A_87, %scan3A_85 : i32
      %mul3A_89 = arith.constant 2 : i32
      %mul3A_90 = arith.muli %mul3A_89, %scan3A_85 : i32
      %add3A_91 = arith.constant 1 : i32
      %add3A_92 = arith.addi %mul3A_90, %add3A_91 : i32
      %scan3A_93 = arith.constant 0 : i32
      %scan3A_94 = arith.constant 0 : i32
      %scan3A_95 = arith.constant 8 : i32
      %scan3A_96 = arith.addi %scan3A_94, %scan3A_95 : i32
      %scan3A_97 = arith.constant 1 : i32
      %scan3A_98 = scf.for %scan3A_140 = %scan3A_94 to %scan3A_96 step %scan3A_97 iter_args(%scan3A_141 = %scan3A_93) -> (i32)  : i32 {
        %mul3A_142 = arith.constant 8 : i32
        %mul3A_143 = arith.muli %add3A_92, %mul3A_142 : i32
        %add3A_144 = arith.addi %mul3A_2, %mul3A_143 : i32
        %add3A_145 = arith.addi %add3A_144, %scan3A_140 : i32
        %mul3A_146 = arith.constant 8 : i32
        %mul3A_147 = arith.muli %mul3A_146, %scan3A_140 : i32
        %dma_start3A_148 = arith.constant 0 : i32
        %dma_start3A_149 = tpu.memref_slice %arg10[%mul3A_147, %dma_start3A_148] : memref<64x128xf32, #tpu.memory_space<vmem>> -> memref<8x128xf32, #tpu.memory_space<vmem>>
        %dma_start3A_150 = arith.constant 0 : i32
        %dma_start3A_151 = arith.constant 0 : i32
        %dma_start3A_152 = tpu.memref_slice %arg2[%add3A_145, %arg0, %dma_start3A_150, %dma_start3A_151] : memref<6250x2x8x128xf32, #tpu.memory_space<hbm>> -> memref<1x1x8x128xf32, #tpu.memory_space<hbm>>
        %dma_start3A_153 = tpu.memref_squeeze %dma_start3A_152 : memref<1x1x8x128xf32, #tpu.memory_space<hbm>> -> memref<8x128xf32, #tpu.memory_space<hbm>>
        %dma_start3A_154 = arith.constant 0 : i32
        %dma_start3A_155 = tpu.memref_slice %arg10[%mul3A_147, %dma_start3A_154] : memref<64x128xf32, #tpu.memory_space<vmem>> -> memref<8x128xf32, #tpu.memory_space<vmem>>
        %dma_start3A_156 = arith.constant 0 : i32
        %dma_start3A_157 = arith.constant 0 : i32
        %dma_start3A_158 = tpu.memref_slice %arg2[%add3A_145, %arg0, %dma_start3A_156, %dma_start3A_157] : memref<6250x2x8x128xf32, #tpu.memory_space<hbm>> -> memref<1x1x8x128xf32, #tpu.memory_space<hbm>>
        %dma_start3A_159 = tpu.memref_squeeze %dma_start3A_158 : memref<1x1x8x128xf32, #tpu.memory_space<hbm>> -> memref<8x128xf32, #tpu.memory_space<hbm>>
        tpu.enqueue_dma source(%dma_start3A_159 : memref<8x128xf32, #tpu.memory_space<hbm>>) target(%dma_start3A_155 : memref<8x128xf32, #tpu.memory_space<vmem>>) target_semaphore(%arg13 : memref<!tpu.dma_semaphore, #tpu.memory_space<semaphore_mem>>)
        %scan3A_160 = arith.constant 0 : i32
        scf.yield %scan3A_160 : i32
      }
      %scan3A_99 = arith.constant 8 : i32
      %scan3A_100 = arith.constant 0 : i32
      %scan3A_101 = arith.constant 0 : i32
      %scan3A_102 = arith.constant 8 : i32
      %scan3A_103 = arith.addi %scan3A_101, %scan3A_102 : i32
      %scan3A_104 = arith.constant 1 : i32
      %scan3A_105 = scf.for %scan3A_140 = %scan3A_101 to %scan3A_103 step %scan3A_104 iter_args(%scan3A_141 = %scan3A_100) -> (i32)  : i32 {
        %mul3A_142 = arith.constant 8 : i32
        %mul3A_143 = arith.muli %mul3A_142, %scan3A_140 : i32
        %dma_wait3A = arith.constant 0 : i32
        %dma_wait3A_144 = tpu.memref_slice %arg9[%mul3A_143, %dma_wait3A] : memref<64x128xf32, #tpu.memory_space<vmem>> -> memref<8x128xf32, #tpu.memory_space<vmem>>
        %dma_wait3A_145 = arith.constant 0 : i32
        %dma_wait3A_146 = arith.constant 0 : i32
        %dma_wait3A_147 = tpu.memref_slice %arg2[%mul3A_2, %arg0, %dma_wait3A_145, %dma_wait3A_146] : memref<6250x2x8x128xf32, #tpu.memory_space<hbm>> -> memref<1x1x8x128xf32, #tpu.memory_space<hbm>>
        %dma_wait3A_148 = tpu.memref_squeeze %dma_wait3A_147 : memref<1x1x8x128xf32, #tpu.memory_space<hbm>> -> memref<8x128xf32, #tpu.memory_space<hbm>>
        %dma_wait3A_149 = arith.constant 0 : i32
        %dma_wait3A_150 = tpu.memref_slice %arg9[%mul3A_143, %dma_wait3A_149] : memref<64x128xf32, #tpu.memory_space<vmem>> -> memref<8x128xf32, #tpu.memory_space<vmem>>
        %dma_wait3A_151 = arith.constant 0 : i32
        %dma_wait3A_152 = arith.constant 0 : i32
        %dma_wait3A_153 = tpu.memref_slice %arg2[%mul3A_2, %arg0, %dma_wait3A_151, %dma_wait3A_152] : memref<6250x2x8x128xf32, #tpu.memory_space<hbm>> -> memref<1x1x8x128xf32, #tpu.memory_space<hbm>>
        %dma_wait3A_154 = tpu.memref_squeeze %dma_wait3A_153 : memref<1x1x8x128xf32, #tpu.memory_space<hbm>> -> memref<8x128xf32, #tpu.memory_space<hbm>>
        tpu.wait_dma2 semaphore(%arg12 : memref<!tpu.dma_semaphore, #tpu.memory_space<semaphore_mem>>) src(%dma_wait3A_154 : memref<8x128xf32, #tpu.memory_space<hbm>>) dst(%dma_wait3A_150 : memref<8x128xf32, #tpu.memory_space<vmem>>)
        %scan3A_155 = arith.constant 0 : i32
        scf.yield %scan3A_155 : i32
      }
      %scan3A_106 = arith.constant 8 : i32
      %mul3A_107 = arith.constant 64 : i32
      %mul3A_108 = arith.muli %mul3A_88, %mul3A_107 : i32
      "tpu.region"() ({
        %run_scoped3A = tpu.sem_alloc : memref<!tpu.dma_semaphore, #tpu.memory_space<semaphore_mem>>
        %dma_start3A_140 = tpu.memref_slice %arg8[%mul3A_108] : memref<3128xi32, #tpu.memory_space<vmem>> -> memref<64xi32, #tpu.memory_space<vmem>>
        %dma_start3A_141 = arith.constant 0 : i32
        %dma_start3A_142 = arith.constant 0 : i32
        %dma_start3A_143 = tpu.memref_slice %arg6[%dma_start3A_141, %dma_start3A_142] : memref<12544x128xf32, #tpu.memory_space<vmem_shared>> -> memref<12544x128xf32, #tpu.memory_space<vmem_shared>>
        tpu.enqueue_indirect_dma source(%arg9 : memref<64x128xf32, #tpu.memory_space<vmem>>) target(%dma_start3A_143 : memref<12544x128xf32, #tpu.memory_space<vmem_shared>>) offsets(%dma_start3A_140 : memref<64xi32, #tpu.memory_space<vmem>>) semaphore(%run_scoped3A : memref<!tpu.dma_semaphore, #tpu.memory_space<semaphore_mem>>) {add = true}
        %dma_wait3A = tpu.memref_slice %arg8[%mul3A_108] : memref<3128xi32, #tpu.memory_space<vmem>> -> memref<64xi32, #tpu.memory_space<vmem>>
        %dma_wait3A_144 = arith.constant 0 : i32
        %dma_wait3A_145 = arith.constant 0 : i32
        %dma_wait3A_146 = tpu.memref_slice %arg6[%dma_wait3A_144, %dma_wait3A_145] : memref<12544x128xf32, #tpu.memory_space<vmem_shared>> -> memref<12544x128xf32, #tpu.memory_space<vmem_shared>>
        tpu.wait_indirect_dma semaphore(%run_scoped3A : memref<!tpu.dma_semaphore, #tpu.memory_space<semaphore_mem>>) src(%arg9 : memref<64x128xf32, #tpu.memory_space<vmem>>) dst(%dma_wait3A_146 : memref<12544x128xf32, #tpu.memory_space<vmem_shared>>)
        tpu.yield
      }) : () -> ()
      %mul3A_109 = arith.constant 64 : i32
      %mul3A_110 = arith.muli %mul3A_88, %mul3A_109 : i32
      %dma_start3A = tpu.memref_slice %arg8[%mul3A_110] : memref<3128xi32, #tpu.memory_space<vmem>> -> memref<64xi32, #tpu.memory_space<vmem>>
      %dma_start3A_111 = arith.constant 0 : i32
      %dma_start3A_112 = arith.constant 0 : i32
      %dma_start3A_113 = tpu.memref_slice %arg7[%dma_start3A_111, %dma_start3A_112] : memref<12544x16xi16, #tpu.memory_space<vmem_shared>> -> memref<12544x16xi16, #tpu.memory_space<vmem_shared>>
      tpu.enqueue_indirect_dma source(%arg11 : memref<64x16xi16, #tpu.memory_space<vmem>>) target(%dma_start3A_113 : memref<12544x16xi16, #tpu.memory_space<vmem_shared>>) offsets(%dma_start3A : memref<64xi32, #tpu.memory_space<vmem>>) semaphore(%arg14 : memref<!tpu.dma_semaphore, #tpu.memory_space<semaphore_mem>>) {add = true}
      %add3A_114 = arith.constant 2 : i32
      %add3A_115 = arith.addi %mul3A_88, %add3A_114 : i32
      %min3A = arith.constant 47 : i32
      %min3A_116 = arith.minsi %add3A_115, %min3A : i32
      %scan3A_117 = arith.constant 0 : i32
      %scan3A_118 = arith.constant 0 : i32
      %scan3A_119 = arith.constant 8 : i32
      %scan3A_120 = arith.addi %scan3A_118, %scan3A_119 : i32
      %scan3A_121 = arith.constant 1 : i32
      %scan3A_122 = scf.for %scan3A_140 = %scan3A_118 to %scan3A_120 step %scan3A_121 iter_args(%scan3A_141 = %scan3A_117) -> (i32)  : i32 {
        %mul3A_142 = arith.constant 8 : i32
        %mul3A_143 = arith.muli %min3A_116, %mul3A_142 : i32
        %add3A_144 = arith.addi %mul3A_2, %mul3A_143 : i32
        %add3A_145 = arith.addi %add3A_144, %scan3A_140 : i32
        %mul3A_146 = arith.constant 8 : i32
        %mul3A_147 = arith.muli %mul3A_146, %scan3A_140 : i32
        %dma_start3A_148 = arith.constant 0 : i32
        %dma_start3A_149 = tpu.memref_slice %arg9[%mul3A_147, %dma_start3A_148] : memref<64x128xf32, #tpu.memory_space<vmem>> -> memref<8x128xf32, #tpu.memory_space<vmem>>
        %dma_start3A_150 = arith.constant 0 : i32
        %dma_start3A_151 = arith.constant 0 : i32
        %dma_start3A_152 = tpu.memref_slice %arg2[%add3A_145, %arg0, %dma_start3A_150, %dma_start3A_151] : memref<6250x2x8x128xf32, #tpu.memory_space<hbm>> -> memref<1x1x8x128xf32, #tpu.memory_space<hbm>>
        %dma_start3A_153 = tpu.memref_squeeze %dma_start3A_152 : memref<1x1x8x128xf32, #tpu.memory_space<hbm>> -> memref<8x128xf32, #tpu.memory_space<hbm>>
        %dma_start3A_154 = arith.constant 0 : i32
        %dma_start3A_155 = tpu.memref_slice %arg9[%mul3A_147, %dma_start3A_154] : memref<64x128xf32, #tpu.memory_space<vmem>> -> memref<8x128xf32, #tpu.memory_space<vmem>>
        %dma_start3A_156 = arith.constant 0 : i32
        %dma_start3A_157 = arith.constant 0 : i32
        %dma_start3A_158 = tpu.memref_slice %arg2[%add3A_145, %arg0, %dma_start3A_156, %dma_start3A_157] : memref<6250x2x8x128xf32, #tpu.memory_space<hbm>> -> memref<1x1x8x128xf32, #tpu.memory_space<hbm>>
        %dma_start3A_159 = tpu.memref_squeeze %dma_start3A_158 : memref<1x1x8x128xf32, #tpu.memory_space<hbm>> -> memref<8x128xf32, #tpu.memory_space<hbm>>
        tpu.enqueue_dma source(%dma_start3A_159 : memref<8x128xf32, #tpu.memory_space<hbm>>) target(%dma_start3A_155 : memref<8x128xf32, #tpu.memory_space<vmem>>) target_semaphore(%arg12 : memref<!tpu.dma_semaphore, #tpu.memory_space<semaphore_mem>>)
        %scan3A_160 = arith.constant 0 : i32
        scf.yield %scan3A_160 : i32
      }
      %scan3A_123 = arith.constant 8 : i32
      %scan3A_124 = arith.constant 0 : i32
      %scan3A_125 = arith.constant 0 : i32
      %scan3A_126 = arith.constant 8 : i32
      %scan3A_127 = arith.addi %scan3A_125, %scan3A_126 : i32
      %scan3A_128 = arith.constant 1 : i32
      %scan3A_129 = scf.for %scan3A_140 = %scan3A_125 to %scan3A_127 step %scan3A_128 iter_args(%scan3A_141 = %scan3A_124) -> (i32)  : i32 {
        %mul3A_142 = arith.constant 8 : i32
        %mul3A_143 = arith.muli %mul3A_142, %scan3A_140 : i32
        %dma_wait3A = arith.constant 0 : i32
        %dma_wait3A_144 = tpu.memref_slice %arg10[%mul3A_143, %dma_wait3A] : memref<64x128xf32, #tpu.memory_space<vmem>> -> memref<8x128xf32, #tpu.memory_space<vmem>>
        %dma_wait3A_145 = arith.constant 0 : i32
        %dma_wait3A_146 = arith.constant 0 : i32
        %dma_wait3A_147 = tpu.memref_slice %arg2[%mul3A_2, %arg0, %dma_wait3A_145, %dma_wait3A_146] : memref<6250x2x8x128xf32, #tpu.memory_space<hbm>> -> memref<1x1x8x128xf32, #tpu.memory_space<hbm>>
        %dma_wait3A_148 = tpu.memref_squeeze %dma_wait3A_147 : memref<1x1x8x128xf32, #tpu.memory_space<hbm>> -> memref<8x128xf32, #tpu.memory_space<hbm>>
        %dma_wait3A_149 = arith.constant 0 : i32
        %dma_wait3A_150 = tpu.memref_slice %arg10[%mul3A_143, %dma_wait3A_149] : memref<64x128xf32, #tpu.memory_space<vmem>> -> memref<8x128xf32, #tpu.memory_space<vmem>>
        %dma_wait3A_151 = arith.constant 0 : i32
        %dma_wait3A_152 = arith.constant 0 : i32
        %dma_wait3A_153 = tpu.memref_slice %arg2[%mul3A_2, %arg0, %dma_wait3A_151, %dma_wait3A_152] : memref<6250x2x8x128xf32, #tpu.memory_space<hbm>> -> memref<1x1x8x128xf32, #tpu.memory_space<hbm>>
        %dma_wait3A_154 = tpu.memref_squeeze %dma_wait3A_153 : memref<1x1x8x128xf32, #tpu.memory_space<hbm>> -> memref<8x128xf32, #tpu.memory_space<hbm>>
        tpu.wait_dma2 semaphore(%arg13 : memref<!tpu.dma_semaphore, #tpu.memory_space<semaphore_mem>>) src(%dma_wait3A_154 : memref<8x128xf32, #tpu.memory_space<hbm>>) dst(%dma_wait3A_150 : memref<8x128xf32, #tpu.memory_space<vmem>>)
        %scan3A_155 = arith.constant 0 : i32
        scf.yield %scan3A_155 : i32
      }
      %scan3A_130 = arith.constant 8 : i32
      %mul3A_131 = arith.constant 64 : i32
      %mul3A_132 = arith.muli %add3A_92, %mul3A_131 : i32
      "tpu.region"() ({
        %run_scoped3A = tpu.sem_alloc : memref<!tpu.dma_semaphore, #tpu.memory_space<semaphore_mem>>
        %dma_start3A_140 = tpu.memref_slice %arg8[%mul3A_132] : memref<3128xi32, #tpu.memory_space<vmem>> -> memref<64xi32, #tpu.memory_space<vmem>>
        %dma_start3A_141 = arith.constant 0 : i32
        %dma_start3A_142 = arith.constant 0 : i32
        %dma_start3A_143 = tpu.memref_slice %arg6[%dma_start3A_141, %dma_start3A_142] : memref<12544x128xf32, #tpu.memory_space<vmem_shared>> -> memref<12544x128xf32, #tpu.memory_space<vmem_shared>>
        tpu.enqueue_indirect_dma source(%arg10 : memref<64x128xf32, #tpu.memory_space<vmem>>) target(%dma_start3A_143 : memref<12544x128xf32, #tpu.memory_space<vmem_shared>>) offsets(%dma_start3A_140 : memref<64xi32, #tpu.memory_space<vmem>>) semaphore(%run_scoped3A : memref<!tpu.dma_semaphore, #tpu.memory_space<semaphore_mem>>) {add = true}
        %dma_wait3A = tpu.memref_slice %arg8[%mul3A_132] : memref<3128xi32, #tpu.memory_space<vmem>> -> memref<64xi32, #tpu.memory_space<vmem>>
        %dma_wait3A_144 = arith.constant 0 : i32
        %dma_wait3A_145 = arith.constant 0 : i32
        %dma_wait3A_146 = tpu.memref_slice %arg6[%dma_wait3A_144, %dma_wait3A_145] : memref<12544x128xf32, #tpu.memory_space<vmem_shared>> -> memref<12544x128xf32, #tpu.memory_space<vmem_shared>>
        tpu.wait_indirect_dma semaphore(%run_scoped3A : memref<!tpu.dma_semaphore, #tpu.memory_space<semaphore_mem>>) src(%arg10 : memref<64x128xf32, #tpu.memory_space<vmem>>) dst(%dma_wait3A_146 : memref<12544x128xf32, #tpu.memory_space<vmem_shared>>)
        tpu.yield
      }) : () -> ()
      %mul3A_133 = arith.constant 64 : i32
      %mul3A_134 = arith.muli %add3A_92, %mul3A_133 : i32
      %dma_start3A_135 = tpu.memref_slice %arg8[%mul3A_134] : memref<3128xi32, #tpu.memory_space<vmem>> -> memref<64xi32, #tpu.memory_space<vmem>>
      %dma_start3A_136 = arith.constant 0 : i32
      %dma_start3A_137 = arith.constant 0 : i32
      %dma_start3A_138 = tpu.memref_slice %arg7[%dma_start3A_136, %dma_start3A_137] : memref<12544x16xi16, #tpu.memory_space<vmem_shared>> -> memref<12544x16xi16, #tpu.memory_space<vmem_shared>>
      tpu.enqueue_indirect_dma source(%arg11 : memref<64x16xi16, #tpu.memory_space<vmem>>) target(%dma_start3A_138 : memref<12544x16xi16, #tpu.memory_space<vmem_shared>>) offsets(%dma_start3A_135 : memref<64xi32, #tpu.memory_space<vmem>>) semaphore(%arg14 : memref<!tpu.dma_semaphore, #tpu.memory_space<semaphore_mem>>) {add = true}
      %scan3A_139 = arith.constant 0 : i32
      scf.yield %scan3A_139 : i32
    }
    %scan3A_50 = arith.constant 24 : i32
    %scan3A_51 = arith.constant 0 : i32
    %scan3A_52 = arith.constant 0 : i32
    %scan3A_53 = arith.constant 8 : i32
    %scan3A_54 = arith.addi %scan3A_52, %scan3A_53 : i32
    %scan3A_55 = arith.constant 1 : i32
    %scan3A_56 = scf.for %scan3A_85 = %scan3A_52 to %scan3A_54 step %scan3A_55 iter_args(%scan3A_86 = %scan3A_51) -> (i32)  : i32 {
      %mul3A_87 = arith.constant 8 : i32
      %mul3A_88 = arith.muli %mul3A_87, %scan3A_85 : i32
      %dma_wait3A = arith.constant 0 : i32
      %dma_wait3A_89 = tpu.memref_slice %arg9[%mul3A_88, %dma_wait3A] : memref<64x128xf32, #tpu.memory_space<vmem>> -> memref<8x128xf32, #tpu.memory_space<vmem>>
      %dma_wait3A_90 = arith.constant 0 : i32
      %dma_wait3A_91 = arith.constant 0 : i32
      %dma_wait3A_92 = tpu.memref_slice %arg2[%mul3A_2, %arg0, %dma_wait3A_90, %dma_wait3A_91] : memref<6250x2x8x128xf32, #tpu.memory_space<hbm>> -> memref<1x1x8x128xf32, #tpu.memory_space<hbm>>
      %dma_wait3A_93 = tpu.memref_squeeze %dma_wait3A_92 : memref<1x1x8x128xf32, #tpu.memory_space<hbm>> -> memref<8x128xf32, #tpu.memory_space<hbm>>
      %dma_wait3A_94 = arith.constant 0 : i32
      %dma_wait3A_95 = tpu.memref_slice %arg9[%mul3A_88, %dma_wait3A_94] : memref<64x128xf32, #tpu.memory_space<vmem>> -> memref<8x128xf32, #tpu.memory_space<vmem>>
      %dma_wait3A_96 = arith.constant 0 : i32
      %dma_wait3A_97 = arith.constant 0 : i32
      %dma_wait3A_98 = tpu.memref_slice %arg2[%mul3A_2, %arg0, %dma_wait3A_96, %dma_wait3A_97] : memref<6250x2x8x128xf32, #tpu.memory_space<hbm>> -> memref<1x1x8x128xf32, #tpu.memory_space<hbm>>
      %dma_wait3A_99 = tpu.memref_squeeze %dma_wait3A_98 : memref<1x1x8x128xf32, #tpu.memory_space<hbm>> -> memref<8x128xf32, #tpu.memory_space<hbm>>
      tpu.wait_dma2 semaphore(%arg12 : memref<!tpu.dma_semaphore, #tpu.memory_space<semaphore_mem>>) src(%dma_wait3A_99 : memref<8x128xf32, #tpu.memory_space<hbm>>) dst(%dma_wait3A_95 : memref<8x128xf32, #tpu.memory_space<vmem>>)
      %scan3A_100 = arith.constant 0 : i32
      scf.yield %scan3A_100 : i32
    }
    %scan3A_57 = arith.constant 8 : i32
    %scan3A_58 = arith.constant 0 : i32
    %scan3A_59 = arith.constant 0 : i32
    %scan3A_60 = arith.constant 48 : i32
    %scan3A_61 = arith.addi %scan3A_59, %scan3A_60 : i32
    %scan3A_62 = arith.constant 1 : i32
    %scan3A_63 = scf.for %scan3A_85 = %scan3A_59 to %scan3A_61 step %scan3A_62 iter_args(%scan3A_86 = %scan3A_58) -> (i32)  : i32 {
      %dma_wait3A = arith.constant 0 : i32
      %dma_wait3A_87 = tpu.memref_slice %arg8[%dma_wait3A] : memref<3128xi32, #tpu.memory_space<vmem>> -> memref<64xi32, #tpu.memory_space<vmem>>
      %dma_wait3A_88 = arith.constant 0 : i32
      %dma_wait3A_89 = arith.constant 0 : i32
      %dma_wait3A_90 = tpu.memref_slice %arg7[%dma_wait3A_88, %dma_wait3A_89] : memref<12544x16xi16, #tpu.memory_space<vmem_shared>> -> memref<12544x16xi16, #tpu.memory_space<vmem_shared>>
      tpu.wait_indirect_dma semaphore(%arg14 : memref<!tpu.dma_semaphore, #tpu.memory_space<semaphore_mem>>) src(%arg11 : memref<64x16xi16, #tpu.memory_space<vmem>>) dst(%dma_wait3A_90 : memref<12544x16xi16, #tpu.memory_space<vmem_shared>>)
      %scan3A_91 = arith.constant 0 : i32
      scf.yield %scan3A_91 : i32
    }
    %scan3A_64 = arith.constant 48 : i32
    %add3A_65 = arith.constant 384 : i32
    %add3A_66 = arith.addi %mul3A_2, %add3A_65 : i32
    %lt3A_67 = arith.constant 15 : i32
    %lt3A_68 = arith.cmpi slt, %arg1, %lt3A_67 : i32
    %convert_element_type3A_69 = arith.extui %lt3A_68 : i1 to i32
    %cond3A_70 = arith.constant 0 : i32
    %cond3A_71 = arith.cmpi ne, %convert_element_type3A_69, %cond3A_70 : i32
    scf.if %cond3A_71 {
      %scan3A_85 = arith.constant 0 : i32
      %scan3A_86 = arith.constant 0 : i32
      %scan3A_87 = arith.constant 7 : i32
      %scan3A_88 = arith.addi %scan3A_86, %scan3A_87 : i32
      %scan3A_89 = arith.constant 1 : i32
      %scan3A_90 = scf.for %scan3A_99 = %scan3A_86 to %scan3A_88 step %scan3A_89 iter_args(%scan3A_100 = %scan3A_85) -> (i32)  : i32 {
        %add3A_101 = arith.addi %add3A_66, %scan3A_99 : i32
        %mul3A_102 = arith.constant 8 : i32
        %mul3A_103 = arith.muli %mul3A_102, %scan3A_99 : i32
        %dma_start3A = arith.constant 0 : i32
        %dma_start3A_104 = tpu.memref_slice %arg9[%mul3A_103, %dma_start3A] : memref<64x128xf32, #tpu.memory_space<vmem>> -> memref<8x128xf32, #tpu.memory_space<vmem>>
        %dma_start3A_105 = arith.constant 0 : i32
        %dma_start3A_106 = arith.constant 0 : i32
        %dma_start3A_107 = tpu.memref_slice %arg2[%add3A_101, %arg0, %dma_start3A_105, %dma_start3A_106] : memref<6250x2x8x128xf32, #tpu.memory_space<hbm>> -> memref<1x1x8x128xf32, #tpu.memory_space<hbm>>
        %dma_start3A_108 = tpu.memref_squeeze %dma_start3A_107 : memref<1x1x8x128xf32, #tpu.memory_space<hbm>> -> memref<8x128xf32, #tpu.memory_space<hbm>>
        %dma_start3A_109 = arith.constant 0 : i32
        %dma_start3A_110 = tpu.memref_slice %arg9[%mul3A_103, %dma_start3A_109] : memref<64x128xf32, #tpu.memory_space<vmem>> -> memref<8x128xf32, #tpu.memory_space<vmem>>
        %dma_start3A_111 = arith.constant 0 : i32
        %dma_start3A_112 = arith.constant 0 : i32
        %dma_start3A_113 = tpu.memref_slice %arg2[%add3A_101, %arg0, %dma_start3A_111, %dma_start3A_112] : memref<6250x2x8x128xf32, #tpu.memory_space<hbm>> -> memref<1x1x8x128xf32, #tpu.memory_space<hbm>>
        %dma_start3A_114 = tpu.memref_squeeze %dma_start3A_113 : memref<1x1x8x128xf32, #tpu.memory_space<hbm>> -> memref<8x128xf32, #tpu.memory_space<hbm>>
        tpu.enqueue_dma source(%dma_start3A_114 : memref<8x128xf32, #tpu.memory_space<hbm>>) target(%dma_start3A_110 : memref<8x128xf32, #tpu.memory_space<vmem>>) target_semaphore(%arg12 : memref<!tpu.dma_semaphore, #tpu.memory_space<semaphore_mem>>)
        %scan3A_115 = arith.constant 0 : i32
        scf.yield %scan3A_115 : i32
      }
      %scan3A_91 = arith.constant 7 : i32
      %scan3A_92 = arith.constant 0 : i32
      %scan3A_93 = arith.constant 0 : i32
      %scan3A_94 = arith.constant 7 : i32
      %scan3A_95 = arith.addi %scan3A_93, %scan3A_94 : i32
      %scan3A_96 = arith.constant 1 : i32
      %scan3A_97 = scf.for %scan3A_99 = %scan3A_93 to %scan3A_95 step %scan3A_96 iter_args(%scan3A_100 = %scan3A_92) -> (i32)  : i32 {
        %mul3A_101 = arith.constant 8 : i32
        %mul3A_102 = arith.muli %mul3A_101, %scan3A_99 : i32
        %dma_wait3A = arith.constant 0 : i32
        %dma_wait3A_103 = tpu.memref_slice %arg9[%mul3A_102, %dma_wait3A] : memref<64x128xf32, #tpu.memory_space<vmem>> -> memref<8x128xf32, #tpu.memory_space<vmem>>
        %dma_wait3A_104 = arith.constant 0 : i32
        %dma_wait3A_105 = arith.constant 0 : i32
        %dma_wait3A_106 = tpu.memref_slice %arg2[%add3A_66, %arg0, %dma_wait3A_104, %dma_wait3A_105] : memref<6250x2x8x128xf32, #tpu.memory_space<hbm>> -> memref<1x1x8x128xf32, #tpu.memory_space<hbm>>
        %dma_wait3A_107 = tpu.memref_squeeze %dma_wait3A_106 : memref<1x1x8x128xf32, #tpu.memory_space<hbm>> -> memref<8x128xf32, #tpu.memory_space<hbm>>
        %dma_wait3A_108 = arith.constant 0 : i32
        %dma_wait3A_109 = tpu.memref_slice %arg9[%mul3A_102, %dma_wait3A_108] : memref<64x128xf32, #tpu.memory_space<vmem>> -> memref<8x128xf32, #tpu.memory_space<vmem>>
        %dma_wait3A_110 = arith.constant 0 : i32
        %dma_wait3A_111 = arith.constant 0 : i32
        %dma_wait3A_112 = tpu.memref_slice %arg2[%add3A_66, %arg0, %dma_wait3A_110, %dma_wait3A_111] : memref<6250x2x8x128xf32, #tpu.memory_space<hbm>> -> memref<1x1x8x128xf32, #tpu.memory_space<hbm>>
        %dma_wait3A_113 = tpu.memref_squeeze %dma_wait3A_112 : memref<1x1x8x128xf32, #tpu.memory_space<hbm>> -> memref<8x128xf32, #tpu.memory_space<hbm>>
        tpu.wait_dma2 semaphore(%arg12 : memref<!tpu.dma_semaphore, #tpu.memory_space<semaphore_mem>>) src(%dma_wait3A_113 : memref<8x128xf32, #tpu.memory_space<hbm>>) dst(%dma_wait3A_109 : memref<8x128xf32, #tpu.memory_space<vmem>>)
        %scan3A_114 = arith.constant 0 : i32
        scf.yield %scan3A_114 : i32
      }
      %scan3A_98 = arith.constant 7 : i32
      "tpu.region"() ({
        %run_scoped3A = tpu.sem_alloc : memref<!tpu.dma_semaphore, #tpu.memory_space<semaphore_mem>>
        %dma_start3A = arith.constant 0 : i32
        %dma_start3A_99 = arith.constant 0 : i32
        %dma_start3A_100 = tpu.memref_slice %arg9[%dma_start3A, %dma_start3A_99] : memref<64x128xf32, #tpu.memory_space<vmem>> -> memref<56x128xf32, #tpu.memory_space<vmem>>
        %dma_start3A_101 = arith.constant 3072 : i32
        %dma_start3A_102 = tpu.memref_slice %arg8[%dma_start3A_101] : memref<3128xi32, #tpu.memory_space<vmem>> -> memref<56xi32, #tpu.memory_space<vmem>>
        %dma_start3A_103 = arith.constant 0 : i32
        %dma_start3A_104 = arith.constant 0 : i32
        %dma_start3A_105 = tpu.memref_slice %arg6[%dma_start3A_103, %dma_start3A_104] : memref<12544x128xf32, #tpu.memory_space<vmem_shared>> -> memref<12544x128xf32, #tpu.memory_space<vmem_shared>>
        tpu.enqueue_indirect_dma source(%dma_start3A_100 : memref<56x128xf32, #tpu.memory_space<vmem>>) target(%dma_start3A_105 : memref<12544x128xf32, #tpu.memory_space<vmem_shared>>) offsets(%dma_start3A_102 : memref<56xi32, #tpu.memory_space<vmem>>) semaphore(%run_scoped3A : memref<!tpu.dma_semaphore, #tpu.memory_space<semaphore_mem>>) {add = true}
        %dma_wait3A = arith.constant 0 : i32
        %dma_wait3A_106 = arith.constant 0 : i32
        %dma_wait3A_107 = tpu.memref_slice %arg9[%dma_wait3A, %dma_wait3A_106] : memref<64x128xf32, #tpu.memory_space<vmem>> -> memref<56x128xf32, #tpu.memory_space<vmem>>
        %dma_wait3A_108 = arith.constant 3072 : i32
        %dma_wait3A_109 = tpu.memref_slice %arg8[%dma_wait3A_108] : memref<3128xi32, #tpu.memory_space<vmem>> -> memref<56xi32, #tpu.memory_space<vmem>>
        %dma_wait3A_110 = arith.constant 0 : i32
        %dma_wait3A_111 = arith.constant 0 : i32
        %dma_wait3A_112 = tpu.memref_slice %arg6[%dma_wait3A_110, %dma_wait3A_111] : memref<12544x128xf32, #tpu.memory_space<vmem_shared>> -> memref<12544x128xf32, #tpu.memory_space<vmem_shared>>
        tpu.wait_indirect_dma semaphore(%run_scoped3A : memref<!tpu.dma_semaphore, #tpu.memory_space<semaphore_mem>>) src(%dma_wait3A_107 : memref<56x128xf32, #tpu.memory_space<vmem>>) dst(%dma_wait3A_112 : memref<12544x128xf32, #tpu.memory_space<vmem_shared>>)
        tpu.yield
      }) : () -> ()
      "tpu.region"() ({
        %run_scoped3A = tpu.sem_alloc : memref<!tpu.dma_semaphore, #tpu.memory_space<semaphore_mem>>
        %dma_start3A = arith.constant 0 : i32
        %dma_start3A_99 = arith.constant 0 : i32
        %dma_start3A_100 = tpu.memref_slice %arg11[%dma_start3A, %dma_start3A_99] : memref<64x16xi16, #tpu.memory_space<vmem>> -> memref<56x16xi16, #tpu.memory_space<vmem>>
        %dma_start3A_101 = arith.constant 3072 : i32
        %dma_start3A_102 = tpu.memref_slice %arg8[%dma_start3A_101] : memref<3128xi32, #tpu.memory_space<vmem>> -> memref<56xi32, #tpu.memory_space<vmem>>
        %dma_start3A_103 = arith.constant 0 : i32
        %dma_start3A_104 = arith.constant 0 : i32
        %dma_start3A_105 = tpu.memref_slice %arg7[%dma_start3A_103, %dma_start3A_104] : memref<12544x16xi16, #tpu.memory_space<vmem_shared>> -> memref<12544x16xi16, #tpu.memory_space<vmem_shared>>
        tpu.enqueue_indirect_dma source(%dma_start3A_100 : memref<56x16xi16, #tpu.memory_space<vmem>>) target(%dma_start3A_105 : memref<12544x16xi16, #tpu.memory_space<vmem_shared>>) offsets(%dma_start3A_102 : memref<56xi32, #tpu.memory_space<vmem>>) semaphore(%run_scoped3A : memref<!tpu.dma_semaphore, #tpu.memory_space<semaphore_mem>>) {add = true}
        %dma_wait3A = arith.constant 0 : i32
        %dma_wait3A_106 = arith.constant 0 : i32
        %dma_wait3A_107 = tpu.memref_slice %arg11[%dma_wait3A, %dma_wait3A_106] : memref<64x16xi16, #tpu.memory_space<vmem>> -> memref<56x16xi16, #tpu.memory_space<vmem>>
        %dma_wait3A_108 = arith.constant 3072 : i32
        %dma_wait3A_109 = tpu.memref_slice %arg8[%dma_wait3A_108] : memref<3128xi32, #tpu.memory_space<vmem>> -> memref<56xi32, #tpu.memory_space<vmem>>
        %dma_wait3A_110 = arith.constant 0 : i32
        %dma_wait3A_111 = arith.constant 0 : i32
        %dma_wait3A_112 = tpu.memref_slice %arg7[%dma_wait3A_110, %dma_wait3A_111] : memref<12544x16xi16, #tpu.memory_space<vmem_shared>> -> memref<12544x16xi16, #tpu.memory_space<vmem_shared>>
        tpu.wait_indirect_dma semaphore(%run_scoped3A : memref<!tpu.dma_semaphore, #tpu.memory_space<semaphore_mem>>) src(%dma_wait3A_107 : memref<56x16xi16, #tpu.memory_space<vmem>>) dst(%dma_wait3A_112 : memref<12544x16xi16, #tpu.memory_space<vmem_shared>>)
        tpu.yield
      }) : () -> ()
    } else {
    }
    %eq3A_72 = arith.constant 15 : i32
    %eq3A_73 = arith.cmpi eq, %arg1, %eq3A_72 : i32
    %convert_element_type3A_74 = arith.extui %eq3A_73 : i1 to i32
    %cond3A_75 = arith.constant 0 : i32
    %cond3A_76 = arith.cmpi ne, %convert_element_type3A_74, %cond3A_75 : i32
    scf.if %cond3A_76 {
      "tpu.region"() ({
        %run_scoped3A = tpu.sem_alloc : memref<!tpu.dma_semaphore, #tpu.memory_space<semaphore_mem>>
        %dma_start3A = arith.constant 0 : i32
        %dma_start3A_85 = arith.constant 0 : i32
        %dma_start3A_86 = tpu.memref_slice %arg9[%dma_start3A, %dma_start3A_85] : memref<64x128xf32, #tpu.memory_space<vmem>> -> memref<8x128xf32, #tpu.memory_space<vmem>>
        %dma_start3A_87 = arith.constant 0 : i32
        %dma_start3A_88 = arith.constant 0 : i32
        %dma_start3A_89 = tpu.memref_slice %arg2[%add3A_66, %arg0, %dma_start3A_87, %dma_start3A_88] : memref<6250x2x8x128xf32, #tpu.memory_space<hbm>> -> memref<1x1x8x128xf32, #tpu.memory_space<hbm>>
        %dma_start3A_90 = tpu.memref_squeeze %dma_start3A_89 : memref<1x1x8x128xf32, #tpu.memory_space<hbm>> -> memref<8x128xf32, #tpu.memory_space<hbm>>
        %dma_start3A_91 = arith.constant 0 : i32
        %dma_start3A_92 = arith.constant 0 : i32
        %dma_start3A_93 = tpu.memref_slice %arg9[%dma_start3A_91, %dma_start3A_92] : memref<64x128xf32, #tpu.memory_space<vmem>> -> memref<8x128xf32, #tpu.memory_space<vmem>>
        %dma_start3A_94 = arith.constant 0 : i32
        %dma_start3A_95 = arith.constant 0 : i32
        %dma_start3A_96 = tpu.memref_slice %arg2[%add3A_66, %arg0, %dma_start3A_94, %dma_start3A_95] : memref<6250x2x8x128xf32, #tpu.memory_space<hbm>> -> memref<1x1x8x128xf32, #tpu.memory_space<hbm>>
        %dma_start3A_97 = tpu.memref_squeeze %dma_start3A_96 : memref<1x1x8x128xf32, #tpu.memory_space<hbm>> -> memref<8x128xf32, #tpu.memory_space<hbm>>
        tpu.enqueue_dma source(%dma_start3A_97 : memref<8x128xf32, #tpu.memory_space<hbm>>) target(%dma_start3A_93 : memref<8x128xf32, #tpu.memory_space<vmem>>) target_semaphore(%run_scoped3A : memref<!tpu.dma_semaphore, #tpu.memory_space<semaphore_mem>>)
        %dma_wait3A = arith.constant 0 : i32
        %dma_wait3A_98 = arith.constant 0 : i32
        %dma_wait3A_99 = tpu.memref_slice %arg9[%dma_wait3A, %dma_wait3A_98] : memref<64x128xf32, #tpu.memory_space<vmem>> -> memref<8x128xf32, #tpu.memory_space<vmem>>
        %dma_wait3A_100 = arith.constant 0 : i32
        %dma_wait3A_101 = arith.constant 0 : i32
        %dma_wait3A_102 = tpu.memref_slice %arg2[%add3A_66, %arg0, %dma_wait3A_100, %dma_wait3A_101] : memref<6250x2x8x128xf32, #tpu.memory_space<hbm>> -> memref<1x1x8x128xf32, #tpu.memory_space<hbm>>
        %dma_wait3A_103 = tpu.memref_squeeze %dma_wait3A_102 : memref<1x1x8x128xf32, #tpu.memory_space<hbm>> -> memref<8x128xf32, #tpu.memory_space<hbm>>
        %dma_wait3A_104 = arith.constant 0 : i32
        %dma_wait3A_105 = arith.constant 0 : i32
        %dma_wait3A_106 = tpu.memref_slice %arg9[%dma_wait3A_104, %dma_wait3A_105] : memref<64x128xf32, #tpu.memory_space<vmem>> -> memref<8x128xf32, #tpu.memory_space<vmem>>
        %dma_wait3A_107 = arith.constant 0 : i32
        %dma_wait3A_108 = arith.constant 0 : i32
        %dma_wait3A_109 = tpu.memref_slice %arg2[%add3A_66, %arg0, %dma_wait3A_107, %dma_wait3A_108] : memref<6250x2x8x128xf32, #tpu.memory_space<hbm>> -> memref<1x1x8x128xf32, #tpu.memory_space<hbm>>
        %dma_wait3A_110 = tpu.memref_squeeze %dma_wait3A_109 : memref<1x1x8x128xf32, #tpu.memory_space<hbm>> -> memref<8x128xf32, #tpu.memory_space<hbm>>
        tpu.wait_dma2 semaphore(%run_scoped3A : memref<!tpu.dma_semaphore, #tpu.memory_space<semaphore_mem>>) src(%dma_wait3A_110 : memref<8x128xf32, #tpu.memory_space<hbm>>) dst(%dma_wait3A_106 : memref<8x128xf32, #tpu.memory_space<vmem>>)
        tpu.yield
      }) : () -> ()
      "tpu.region"() ({
        %run_scoped3A = tpu.sem_alloc : memref<!tpu.dma_semaphore, #tpu.memory_space<semaphore_mem>>
        %dma_start3A = arith.constant 0 : i32
        %dma_start3A_85 = arith.constant 0 : i32
        %dma_start3A_86 = tpu.memref_slice %arg9[%dma_start3A, %dma_start3A_85] : memref<64x128xf32, #tpu.memory_space<vmem>> -> memref<8x128xf32, #tpu.memory_space<vmem>>
        %dma_start3A_87 = arith.constant 3072 : i32
        %dma_start3A_88 = tpu.memref_slice %arg8[%dma_start3A_87] : memref<3128xi32, #tpu.memory_space<vmem>> -> memref<8xi32, #tpu.memory_space<vmem>>
        %dma_start3A_89 = arith.constant 0 : i32
        %dma_start3A_90 = arith.constant 0 : i32
        %dma_start3A_91 = tpu.memref_slice %arg6[%dma_start3A_89, %dma_start3A_90] : memref<12544x128xf32, #tpu.memory_space<vmem_shared>> -> memref<12544x128xf32, #tpu.memory_space<vmem_shared>>
        tpu.enqueue_indirect_dma source(%dma_start3A_86 : memref<8x128xf32, #tpu.memory_space<vmem>>) target(%dma_start3A_91 : memref<12544x128xf32, #tpu.memory_space<vmem_shared>>) offsets(%dma_start3A_88 : memref<8xi32, #tpu.memory_space<vmem>>) semaphore(%run_scoped3A : memref<!tpu.dma_semaphore, #tpu.memory_space<semaphore_mem>>) {add = true}
        %dma_wait3A = arith.constant 0 : i32
        %dma_wait3A_92 = arith.constant 0 : i32
        %dma_wait3A_93 = tpu.memref_slice %arg9[%dma_wait3A, %dma_wait3A_92] : memref<64x128xf32, #tpu.memory_space<vmem>> -> memref<8x128xf32, #tpu.memory_space<vmem>>
        %dma_wait3A_94 = arith.constant 3072 : i32
        %dma_wait3A_95 = tpu.memref_slice %arg8[%dma_wait3A_94] : memref<3128xi32, #tpu.memory_space<vmem>> -> memref<8xi32, #tpu.memory_space<vmem>>
        %dma_wait3A_96 = arith.constant 0 : i32
        %dma_wait3A_97 = arith.constant 0 : i32
        %dma_wait3A_98 = tpu.memref_slice %arg6[%dma_wait3A_96, %dma_wait3A_97] : memref<12544x128xf32, #tpu.memory_space<vmem_shared>> -> memref<12544x128xf32, #tpu.memory_space<vmem_shared>>
        tpu.wait_indirect_dma semaphore(%run_scoped3A : memref<!tpu.dma_semaphore, #tpu.memory_space<semaphore_mem>>) src(%dma_wait3A_93 : memref<8x128xf32, #tpu.memory_space<vmem>>) dst(%dma_wait3A_98 : memref<12544x128xf32, #tpu.memory_space<vmem_shared>>)
        tpu.yield
      }) : () -> ()
      "tpu.region"() ({
        %run_scoped3A = tpu.sem_alloc : memref<!tpu.dma_semaphore, #tpu.memory_space<semaphore_mem>>
        %dma_start3A = arith.constant 0 : i32
        %dma_start3A_85 = arith.constant 0 : i32
        %dma_start3A_86 = tpu.memref_slice %arg11[%dma_start3A, %dma_start3A_85] : memref<64x16xi16, #tpu.memory_space<vmem>> -> memref<8x16xi16, #tpu.memory_space<vmem>>
        %dma_start3A_87 = arith.constant 3072 : i32
        %dma_start3A_88 = tpu.memref_slice %arg8[%dma_start3A_87] : memref<3128xi32, #tpu.memory_space<vmem>> -> memref<8xi32, #tpu.memory_space<vmem>>
        %dma_start3A_89 = arith.constant 0 : i32
        %dma_start3A_90 = arith.constant 0 : i32
        %dma_start3A_91 = tpu.memref_slice %arg7[%dma_start3A_89, %dma_start3A_90] : memref<12544x16xi16, #tpu.memory_space<vmem_shared>> -> memref<12544x16xi16, #tpu.memory_space<vmem_shared>>
        tpu.enqueue_indirect_dma source(%dma_start3A_86 : memref<8x16xi16, #tpu.memory_space<vmem>>) target(%dma_start3A_91 : memref<12544x16xi16, #tpu.memory_space<vmem_shared>>) offsets(%dma_start3A_88 : memref<8xi32, #tpu.memory_space<vmem>>) semaphore(%run_scoped3A : memref<!tpu.dma_semaphore, #tpu.memory_space<semaphore_mem>>) {add = true}
        %dma_wait3A = arith.constant 0 : i32
        %dma_wait3A_92 = arith.constant 0 : i32
        %dma_wait3A_93 = tpu.memref_slice %arg11[%dma_wait3A, %dma_wait3A_92] : memref<64x16xi16, #tpu.memory_space<vmem>> -> memref<8x16xi16, #tpu.memory_space<vmem>>
        %dma_wait3A_94 = arith.constant 3072 : i32
        %dma_wait3A_95 = tpu.memref_slice %arg8[%dma_wait3A_94] : memref<3128xi32, #tpu.memory_space<vmem>> -> memref<8xi32, #tpu.memory_space<vmem>>
        %dma_wait3A_96 = arith.constant 0 : i32
        %dma_wait3A_97 = arith.constant 0 : i32
        %dma_wait3A_98 = tpu.memref_slice %arg7[%dma_wait3A_96, %dma_wait3A_97] : memref<12544x16xi16, #tpu.memory_space<vmem_shared>> -> memref<12544x16xi16, #tpu.memory_space<vmem_shared>>
        tpu.wait_indirect_dma semaphore(%run_scoped3A : memref<!tpu.dma_semaphore, #tpu.memory_space<semaphore_mem>>) src(%dma_wait3A_93 : memref<8x16xi16, #tpu.memory_space<vmem>>) dst(%dma_wait3A_98 : memref<12544x16xi16, #tpu.memory_space<vmem_shared>>)
        tpu.yield
      }) : () -> ()
    } else {
    }
    %barrier3A_77 = arith.constant 0 : index
    tpu.barrier barrier_id(%barrier3A_77)
    %mul3A_78 = arith.constant 784 : i32
    %mul3A_79 = arith.muli %arg1, %mul3A_78 : i32
    "tpu.region"() ({
      %run_scoped3A = tpu.sem_alloc : memref<!tpu.dma_semaphore, #tpu.memory_space<semaphore_mem>>
      %dma_start3A = arith.constant 0 : i32
      %dma_start3A_85 = tpu.memref_slice %arg4[%arg0, %mul3A_79, %dma_start3A] : memref<2x12544x128xf32, #tpu.memory_space<hbm>> -> memref<1x784x128xf32, #tpu.memory_space<hbm>>
      %dma_start3A_86 = tpu.memref_squeeze %dma_start3A_85 : memref<1x784x128xf32, #tpu.memory_space<hbm>> -> memref<784x128xf32, #tpu.memory_space<hbm>>
      %dma_start3A_87 = arith.constant 0 : i32
      %dma_start3A_88 = tpu.memref_slice %arg6[%mul3A_79, %dma_start3A_87] : memref<12544x128xf32, #tpu.memory_space<vmem_shared>> -> memref<784x128xf32, #tpu.memory_space<vmem_shared>>
      tpu.enqueue_dma source(%dma_start3A_88 : memref<784x128xf32, #tpu.memory_space<vmem_shared>>) target(%dma_start3A_86 : memref<784x128xf32, #tpu.memory_space<hbm>>) target_semaphore(%run_scoped3A : memref<!tpu.dma_semaphore, #tpu.memory_space<semaphore_mem>>)
      %dma_wait3A = arith.constant 0 : i32
      %dma_wait3A_89 = tpu.memref_slice %arg4[%arg0, %mul3A_79, %dma_wait3A] : memref<2x12544x128xf32, #tpu.memory_space<hbm>> -> memref<1x784x128xf32, #tpu.memory_space<hbm>>
      %dma_wait3A_90 = tpu.memref_squeeze %dma_wait3A_89 : memref<1x784x128xf32, #tpu.memory_space<hbm>> -> memref<784x128xf32, #tpu.memory_space<hbm>>
      %dma_wait3A_91 = arith.constant 0 : i32
      %dma_wait3A_92 = tpu.memref_slice %arg6[%mul3A_79, %dma_wait3A_91] : memref<12544x128xf32, #tpu.memory_space<vmem_shared>> -> memref<784x128xf32, #tpu.memory_space<vmem_shared>>
      tpu.wait_dma2 semaphore(%run_scoped3A : memref<!tpu.dma_semaphore, #tpu.memory_space<semaphore_mem>>) src(%dma_wait3A_92 : memref<784x128xf32, #tpu.memory_space<vmem_shared>>) dst(%dma_wait3A_90 : memref<784x128xf32, #tpu.memory_space<hbm>>)
      tpu.yield
    }) : () -> ()
    %eq3A_80 = arith.constant 0 : i32
    %eq3A_81 = arith.cmpi eq, %arg0, %eq3A_80 : i32
    %convert_element_type3A_82 = arith.extui %eq3A_81 : i1 to i32
    %cond3A_83 = arith.constant 0 : i32
    %cond3A_84 = arith.cmpi ne, %convert_element_type3A_82, %cond3A_83 : i32
    scf.if %cond3A_84 {
      "tpu.region"() ({
        %run_scoped3A = tpu.sem_alloc : memref<!tpu.dma_semaphore, #tpu.memory_space<semaphore_mem>>
        %dma_start3A = arith.constant 0 : i32
        %dma_start3A_85 = tpu.memref_slice %arg5[%mul3A_79, %dma_start3A] : memref<12544x16xi16, #tpu.memory_space<hbm>> -> memref<784x16xi16, #tpu.memory_space<hbm>>
        %dma_start3A_86 = arith.constant 0 : i32
        %dma_start3A_87 = tpu.memref_slice %arg7[%mul3A_79, %dma_start3A_86] : memref<12544x16xi16, #tpu.memory_space<vmem_shared>> -> memref<784x16xi16, #tpu.memory_space<vmem_shared>>
        tpu.enqueue_dma source(%dma_start3A_87 : memref<784x16xi16, #tpu.memory_space<vmem_shared>>) target(%dma_start3A_85 : memref<784x16xi16, #tpu.memory_space<hbm>>) target_semaphore(%run_scoped3A : memref<!tpu.dma_semaphore, #tpu.memory_space<semaphore_mem>>)
        %dma_wait3A = arith.constant 0 : i32
        %dma_wait3A_88 = tpu.memref_slice %arg5[%mul3A_79, %dma_wait3A] : memref<12544x16xi16, #tpu.memory_space<hbm>> -> memref<784x16xi16, #tpu.memory_space<hbm>>
        %dma_wait3A_89 = arith.constant 0 : i32
        %dma_wait3A_90 = tpu.memref_slice %arg7[%mul3A_79, %dma_wait3A_89] : memref<12544x16xi16, #tpu.memory_space<vmem_shared>> -> memref<784x16xi16, #tpu.memory_space<vmem_shared>>
        tpu.wait_dma2 semaphore(%run_scoped3A : memref<!tpu.dma_semaphore, #tpu.memory_space<semaphore_mem>>) src(%dma_wait3A_90 : memref<784x16xi16, #tpu.memory_space<vmem_shared>>) dst(%dma_wait3A_88 : memref<784x16xi16, #tpu.memory_space<hbm>>)
        tpu.yield
      }) : () -> ()
    } else {
    }
    return
  }
}

module attributes {stable_mosaic.version = 14 : i64} {
  func.func @_tc_divide(%arg0: i32, %arg1: memref<2x12544x128xf32, #tpu.memory_space<vmem>>, %arg2: memref<12544x16xi16, #tpu.memory_space<vmem>>, %arg3: memref<12544x256xf32, #tpu.memory_space<vmem>>) attributes {dimension_semantics = [#tpu.dimension_semantics<arbitrary>], iteration_bounds = array<i64: 1>, scalar_prefetch = 0 : i64, scratch_operands = 0 : i64, tpu.core_type = #tpu.core_type<tc>, window_params = [{transform_indices = @transform_0, window_bounds = array<i64: 2, 12544, 128>}, {transform_indices = @transform_1, window_bounds = array<i64: 12544, 16>}, {transform_indices = @transform_2, window_bounds = array<i64: 12544, 256>}]} {
    %get3A = arith.constant 0 : index
    %get3A_0 = arith.constant 0 : index
    %get3A_1 = vector.load %arg2[%get3A, %get3A_0] : memref<12544x16xi16, #tpu.memory_space<vmem>>, vector<12544x1xi16>
    %convert_element_type3A = arith.extsi %get3A_1 : vector<12544x1xi16> to vector<12544x1xi32>
    %and3A = arith.constant 65535 : i32
    %and3A_2 = vector.broadcast %and3A : i32 to vector<12544x1xi32>
    %and3A_3 = arith.andi %convert_element_type3A, %and3A_2 : vector<12544x1xi32>
    %convert_element_type3A_4 = arith.sitofp %and3A_3 : vector<12544x1xi32> to vector<12544x1xf32>
    %max3A = arith.constant 1.000000e+00 : f32
    %max3A_5 = vector.broadcast %max3A : f32 to vector<12544x1xf32>
    %max3A_6 = arith.maximumf %convert_element_type3A_4, %max3A_5 : vector<12544x1xf32>
    %div3A = arith.constant 1.000000e+00 : f32
    %div3A_7 = vector.broadcast %div3A : f32 to vector<12544x1xf32>
    %div3A_8 = arith.divf %div3A_7, %max3A_6 : vector<12544x1xf32>
    %get3A_9 = arith.constant 0 : index
    %get3A_10 = arith.constant 0 : index
    %get3A_11 = arith.constant 0 : index
    %get3A_12 = vector.load %arg1[%get3A_9, %get3A_10, %get3A_11] : memref<2x12544x128xf32, #tpu.memory_space<vmem>>, vector<1x12544x128xf32>
    %get3A_13 = vector.shape_cast %get3A_12 : vector<1x12544x128xf32> to vector<12544x128xf32>
    %mul3A = vector.broadcast %div3A_8 : vector<12544x1xf32> to vector<12544x128xf32>
    %mul3A_14 = arith.mulf %get3A_13, %mul3A : vector<12544x128xf32>
    %swap3A = arith.constant 0 : index
    %swap3A_15 = arith.constant 0 : index
    %swap3A_16 = vector.load %arg3[%swap3A, %swap3A_15] : memref<12544x256xf32, #tpu.memory_space<vmem>>, vector<12544x128xf32>
    tpu.vector_store %arg3[%swap3A, %swap3A_15], %mul3A_14 {strides = array<i32>} : memref<12544x256xf32, #tpu.memory_space<vmem>>, vector<12544x128xf32>,
    %get3A_17 = arith.constant 1 : index
    %get3A_18 = arith.constant 0 : index
    %get3A_19 = arith.constant 0 : index
    %get3A_20 = vector.load %arg1[%get3A_17, %get3A_18, %get3A_19] : memref<2x12544x128xf32, #tpu.memory_space<vmem>>, vector<1x12544x128xf32>
    %get3A_21 = vector.shape_cast %get3A_20 : vector<1x12544x128xf32> to vector<12544x128xf32>
    %mul3A_22 = vector.broadcast %div3A_8 : vector<12544x1xf32> to vector<12544x128xf32>
    %mul3A_23 = arith.mulf %get3A_21, %mul3A_22 : vector<12544x128xf32>
    %swap3A_24 = arith.constant 0 : index
    %swap3A_25 = arith.constant 128 : index
    %swap3A_26 = vector.load %arg3[%swap3A_24, %swap3A_25] : memref<12544x256xf32, #tpu.memory_space<vmem>>, vector<12544x128xf32>
    tpu.vector_store %arg3[%swap3A_24, %swap3A_25], %mul3A_23 {strides = array<i32>} : memref<12544x256xf32, #tpu.memory_space<vmem>>, vector<12544x128xf32>,
    return
  }
  func.func @transform_0(%arg0: i32) -> (i32, i32, i32) {
    %c0_i32 = arith.constant 0 : i32
    %c0_i32_0 = arith.constant 0 : i32
    %c0_i32_1 = arith.constant 0 : i32
    return %c0_i32, %arg0, %c0_i32_0 : i32, i32, i32
  }
  func.func @transform_1(%arg0: i32) -> (i32, i32) {
    %c0_i32 = arith.constant 0 : i32
    %c0_i32_0 = arith.constant 0 : i32
    return %arg0, %c0_i32 : i32, i32
  }
  func.func @transform_2(%arg0: i32) -> (i32, i32) {
    %c0_i32 = arith.constant 0 : i32
    %c0_i32_0 = arith.constant 0 : i32
    return %arg0, %c0_i32 : i32, i32
  }
}

</mosaic_0001>

<sc_bundles>
// kernel: _pooled.4.cloned.1.call-start
scs
__scs_entry_jumppad:
0x0: {  	(pc) =	sbr.rel $0x88, $3  }
0x1: {  	(tag) =	ssettag $0x0;
	lr =	simm.s32 $0x1  }
0x2: {  	[smem:$0x3F9F] =	sst lr;
	_ =	strace $0xD0000000  }
0x3: {  	_ = 	snop  }
0x4: {  	_ = 	snop  }
0x5: {  	_ = 	snop  }
0x6: {  	_ = 	snop  }
0x7: {  	_ = 	snop  }
__scs_overlays_trampoline_lowered:
0x8: {  	[smem:$0x3FAE] =	sst s0  }
0x9: {  	[smem:$0x3FAF] =	sst s1  }
0xa: {  	[smem:$0x3FB0] =	sst s2  }
0xb: {  	[smem:$0x3FB1] =	sst s3  }
0xc: {  	[smem:$0x3FB2] =	sst s4  }
0xd: {  	[smem:$0x3FB3] =	sst s5  }
0xe: {  	[smem:$0x3FB4] =	sst s6  }
0xf: {  	[smem:$0x3FB5] =	sst s7  }
0x10: {  	[smem:$0x3FB6] =	sst s8  }
0x11: {  	[smem:$0x3FB7] =	sst s9;
	s0 =	simm.s32 @!p0 $0x0  }
0x12: {  	s1 =	sld [smem:$0x3F9D];
	s0 =	simm.s32 @p0 $0x1  }
0x13: {  	[smem:$0x3FB8] =	sst s0;
	s0 =	simm.s32 @!p1 $0x0  }
0x14: {  	s2 =	sld [smem:$0x3F9C];
	s0 =	simm.s32 @p1 $0x1  }
0x15: {  	[smem:$0x3FB9] =	sst s0;
	s0 =	simm.s32 @!p2 $0x0  }
0x16: {  	s3 =	sld [smem:$0x3FDB];
	s0 =	simm.s32 @p2 $0x1  }
0x17: {  	s4 =	simm.s32 $0x1BF5;
	[smem:$0x3FBB] =	sst s0  }
0x18: {  	s0 =	sld [smem:$0x3F9E];
	_ =	swait.ge [sflag:s4], $0x0  }
0x19: {  	s7 =	sld [smem:$0x3F9F]  }
0x1a: {  	s8 =	sadd.s32 $0xFFFFE003, lr  }
0x1b: {  	s9 =	sadd.s32 $0xFFFFFEF7, lr;
	s5 =	simm.s32 $0xFFFFFFFF;
	p2 =	slt.u32 s8, $0xFFFFF086  }
0x1c: {  	p1 =	slt.u32 s9, $0xF7A;
	s5 =	simm.s32 @!p2 $0x0  }
0x1d: {  	s5 =	simm.s32 @p1 $0x1;
	p0 =	seq.s32 s7, s2  }
0x1e: {  	s7 =	smul.u32 @!p0 $0xF7A, s2;
	p2 =	seq.s32 @!p0 s5, $0x0  }
0x1f: {  	s9 =	smul.u32 $0xF7A, s1;
	s8 =	simm.s32 @!p0 $0x1BF5;
	p2 =	por !p2, p0  }
0x20: {  	[sflag:s8] =	ssyncset.s32 @!p0 $0xFFFFF086;
	s6 =	sadd.s32 @!p0 s3, s7;
	s7 =	simm.s32 @!p0 $0x108  }
0x21: {  	s3 =	sadd.s32 s3, s9;
	s6 =	sadd.s32 @!p0 $0x88, s6;
	s7 =	simm.s32 @p2 $0x1082  }
0x22: {  	[simem:s7], [sflag:s8] =	dma.local @!p0 [hbm:s6], $0xF7A  }
0x23: {  	s9 =	sor.u32 $0xD0000000, s2;
	s6 =	simm.s32 $0x108;
	_ =	swait.ge @!p0 [sflag:s8], $0x0  }
0x24: {  	s3 =	sadd.s32 $0x88, s3;
	s6 =	simm.s32 @!p1 $0x1082;
	[sflag:s4] =	ssyncset.s32 $0xFFFFF086  }
0x25: {  	[simem:s6], [sflag:s4] =	dma.local [hbm:s3], $0xF7A  }
0x26: {  	[smem:$0x3F9F] =	sst s1;
	(tag) =	ssettag s2;
	_ =	strace s9  }
0x27: {  	s1 =	sld [smem:$0x3FAF]  }
0x28: {  	s2 =	sld [smem:$0x3FB0]  }
0x29: {  	s4 =	sld [smem:$0x3FB2]  }
0x2a: {  	p0 =	seq.s32 s5, $0x0;
	s5 =	sld [smem:$0x3FB3]  }
0x2b: {  	s6 =	sld [smem:$0x3FB4]  }
0x2c: {  	s7 =	sld [smem:$0x3FB5]  }
0x2d: {  	s3 =	simm.s32 $0x108;
	s8 =	sld [smem:$0x3FB6]  }
0x2e: {  	s3 =	simm.s32 @!p0 $0x1082;
	s9 =	sld [smem:$0x3FB7]  }
0x2f: {  	lr =	sadd.s32 s0, s3;
	s0 =	sld [smem:$0x3FAE]  }
0x30: {  	s3 =	sld [smem:$0x3FB1]  }
0x31: {  	[smem:$0x3FBA] =	sst s10  }
0x32: {  	s10 =	sld [smem:$0x3FB8];
	_ =	sdelay $0x3  }
0x33: {  	p0 =	seq.s32 s10, $0x1;
	s10 =	sld [smem:$0x3FBA];
	_ =	sdelay $0x3  }
0x34: {  	[smem:$0x3FBA] =	sst s10  }
0x35: {  	s10 =	sld [smem:$0x3FB9];
	_ =	sdelay $0x3  }
0x36: {  	p1 =	seq.s32 s10, $0x1;
	s10 =	sld [smem:$0x3FBA];
	_ =	sdelay $0x3  }
0x37: {  	[smem:$0x3FBA] =	sst s10  }
0x38: {  	s10 =	sld [smem:$0x3FBB]  }
0x39: {  	_ = 	snop;
	(pc) =	sbr.ind lr, $3  }
0x3a: {  	_ = 	snop  }
0x3b: {  	_ = 	snop  }
0x3c: {  	p2 =	seq.s32 s10, $0x1;
	s10 =	sld [smem:$0x3FBA]  }
0x3d: {  	_ =	shalt  }
0x3e: {  	_ =	shalt  }
0x3f: {  	_ =	shalt  }
0x40: {  	_ =	shalt  }
0x41: {  	_ =	shalt  }
0x42: {  	_ =	shalt  }
0x43: {  	_ =	shalt  }
0x44: {  	_ =	shalt  }
0x45: {  	_ =	shalt  }
0x46: {  	_ =	shalt  }
0x47: {  	_ =	shalt  }
0x48: {  	_ =	shalt  }
0x49: {  	_ =	shalt  }
0x4a: {  	_ =	shalt  }
0x4b: {  	_ =	shalt  }
0x4c: {  	_ =	shalt  }
0x4d: {  	_ =	shalt  }
0x4e: {  	_ =	shalt  }
0x4f: {  	_ =	shalt  }
0x50: {  	_ =	shalt  }
0x51: {  	_ =	shalt  }
0x52: {  	_ =	shalt  }
0x53: {  	_ =	shalt  }
0x54: {  	_ =	shalt  }
0x55: {  	_ =	shalt  }
0x56: {  	_ =	shalt  }
0x57: {  	_ =	shalt  }
0x58: {  	_ =	shalt  }
0x59: {  	_ =	shalt  }
0x5a: {  	_ =	shalt  }
0x5b: {  	_ =	shalt  }
0x5c: {  	_ =	shalt  }
0x5d: {  	_ =	shalt  }
0x5e: {  	_ =	shalt  }
0x5f: {  	_ =	shalt  }
0x60: {  	_ =	shalt  }
0x61: {  	_ =	shalt  }
0x62: {  	_ =	shalt  }
0x63: {  	_ =	shalt  }
0x64: {  	_ =	shalt  }
0x65: {  	_ =	shalt  }
0x66: {  	_ =	shalt  }
0x67: {  	_ =	shalt  }
0x68: {  	_ =	shalt  }
0x69: {  	_ =	shalt  }
0x6a: {  	_ =	shalt  }
0x6b: {  	_ =	shalt  }
0x6c: {  	_ =	shalt  }
0x6d: {  	_ =	shalt  }
0x6e: {  	_ =	shalt  }
0x6f: {  	_ =	shalt  }
0x70: {  	_ =	shalt  }
0x71: {  	_ =	shalt  }
0x72: {  	_ =	shalt  }
0x73: {  	_ =	shalt  }
0x74: {  	_ =	shalt  }
0x75: {  	_ =	shalt  }
0x76: {  	_ =	shalt  }
0x77: {  	_ =	shalt  }
0x78: {  	_ =	shalt  }
0x79: {  	_ =	shalt  }
0x7a: {  	_ =	shalt  }
0x7b: {  	_ =	shalt  }
0x7c: {  	_ =	shalt  }
0x7d: {  	_ =	shalt  }
0x7e: {  	_ =	shalt  }
0x7f: {  	_ =	shalt  }
0x80: {  	_ =	shalt  }
0x81: {  	_ =	shalt  }
0x82: {  	_ =	shalt  }
0x83: {  	_ =	shalt  }
0x84: {  	_ =	shalt  }
0x85: {  	_ =	shalt  }
0x86: {  	_ =	shalt  }
0x87: {  	_ =	shalt  }
.Lfunc_end0:
.L_simem_size_0:
called_computation_lowered:
.L_overlay_start_0:
0x88: {  	s2 =	sld [smem:$0x3FD9]  }
0x89: {  	s3 =	sld [smem:$0x3FFE];
	_ =	sdelay $0x1  }
0x8a: {  	s1 =	srdreg.scid  }
0x8b: {  	s0 =	sand.u32 $0x1, s1  }
0x8c: {  	s17 =	sshll.u32 s0, $0xA;
	s2 =	sadd.s32 s3, s2  }
0x8d: {  	s2 =	sadd.s32 s2, s17  }
0x8e: {  	[smem:$0x3FC6] =	sst s2  }
0x8f: {  	_ = 	snop  }
0x90: {  	s2 =	sld [smem:$0x3FC9]  }
0x91: {  	s18 =	sld [smem:$0x3FC8]  }
0x92: {  	s4 =	sld [smem:$0x3FD0];
	(tm) =	ssettm $0x1  }
0x93: {  	s5 =	sld [smem:$0x3FFB];
	_ =	sdelay $0x3  }
0x94: {  	_ =	strace s5  }
0x95: {  	s5 =	sld [smem:$0x3FFC];
	_ =	sdelay $0x3  }
0x96: {  	_ =	strace s5  }
0x97: {  	s5 =	sld [smem:$0x3FFD];
	_ =	sdelay $0x3  }
0x98: {  	_ =	strace s5  }
0x99: {  	_ =	strace $0x8FFFFFFF  }
0x9a: {  	s19 =	sld [smem:$0x3FDB];
	_ =	sdelay $0x1  }
0x9b: {  	s6 =	simm.s32 $_scs_section_size  }
0x9c: {  	s7 =	simm.s32 $_size__tile_overlayer_lowered;
	s8 =	simm.s32 $_tile_overlayer_lowered  }
0x9d: {  	s22 =	simm.s32 $0x1BFF;
	s21 =	sshll.u32 s8, $0x1;
	s5 =	sadd.s32 s6, s19  }
0x9e: {  	s9 =	simm.s32 $0x0;
	s20 =	sshll.u32 s7, $0x1;
	s7 =	sadd.s32 s21, s5  }
0x9f: {  	[timem:s9], [sflag:s22] =	dma.local [hbm:s7], s20  }
0xa0: {  	_ =	swait.ge [sflag:s22], s20  }
0xa1: {  	s6 =	ssub.s32 $0x0, s20;
	[sflag:s22] =	ssyncset.done $0x0  }
0xa2: {  	[sflag:s22] =	ssyncadd.s32 s6;
	_ =	sdelay $0x1  }
0xa3: {  	s23 =	simm.s32 $0x1B8B  }
0xa4: {  	_ =	swait.ge [sflag:s23], $0x1  }
0xa5: {  	[sflag:s23] =	ssyncset.done $0x0  }
0xa6: {  	s25 =	simm.s32 $0x1B8E;
	s24 =	sld [smem:$0x3FFE];
	[sflag:s23] =	ssyncadd.s32 $0xFFFFFFFF  }
0xa7: {  	s26 =	simm.s32 $execute0_lowered;
	[smem:$0x3FD2] =	sst s25  }
0xa8: {  	s7 =	sshll.u32 s26, $0x1;
	_ =	strace $0x80000046;
	[dreg:$0x1] =	wrdreg $0xFFFFFFFF  }
0xa9: {  	s28 =	simm.s32 $_size_execute0_lowered;
	s5 =	sadd.s32 s5, s7;
	[dreg:$0x0] =	wrdreg $0x0  }
0xaa: {  	s7 =	sshll.u32 s28, $0x1;
	[dreg:$0x2] =	wrdreg s5  }
0xab: {  	[dreg:$0x3] =	wrdreg s7  }
0xac: {  	[dreg:$0x4] =	wrdreg $0xC0  }
0xad: {  	_ =	task [dreg:s9], $0x5FFFF  }
0xae: {  	[dreg:$0x1] =	wrdreg $0xFFFFFFFF  }
0xaf: {  	[dreg:$0x0] =	wrdreg $0x60  }
0xb0: {  	[dreg:$0x2] =	wrdreg s2  }
0xb1: {  	[dreg:$0x3] =	wrdreg s18  }
0xb2: {  	[dreg:$0x4] =	wrdreg s24  }
0xb3: {  	[dreg:$0x5] =	wrdreg s4  }
0xb4: {  	[dreg:$0x6] =	wrdreg $0x0  }
0xb5: {  	[dreg:$0x7] =	wrdreg $0x188000  }
0xb6: {  	[dreg:$0x8] =	wrdreg $0x9  }
0xb7: {  	_ =	task.clear_ibuf [dreg:s9], $0x9FFFF;
	_ =	strace $0x90000046  }
0xb8: {  	s29 =	simm.s32 $0x9;
	_ =	strace $0x80000048  }
0xb9: {  	_ =	swait.ge [sflag:s29], $0x1  }
0xba: {  	[sflag:s29] =	ssyncadd.s32 $0xFFFFFFFF  }
0xbb: {  	_ =	strace $0x90000048  }
0xbc: {  	_ =	sfence  }
0xbd: {  	s30 =	sld [smem:$0x0];
	_ =	sdelay $0x2  }
0xbe: {  	s31 =	sshll.u32 s1, $0xD;
	s1 =	sshrl.u32 s1, $0x2  }
0xbf: {  	s3 =	sand.u32 $0x4000, s31;
	s1 =	sadd.s32 s1, s30  }
0xc0: {  	s0 =	sor.u32 s3, s0;
	s1 =	sshll.u32 s1, $0x11  }
0xc1: {  	s0 =	sor.u32 s1, s0  }
0xc2: {  	s0 =	sadd.s32 $0x8F2B, s0  }
0xc3: {  	[sflag:s0] =	ssyncadd.remote.s32 $0x1  }
0xc4: {  	_ =	sfence.sel $0xFFFF  }
0xc5: {  	[dreg:$0x0] =	wrdreg $0xFFFFFFFF;
	(pc) =	sbr.abs _section_cstart, $3  }
0xc6: {  	[dreg:$0x1] =	wrdreg $0xFFFFFFFF  }
0xc7: {  	_ =	task.clear_ibuf [dreg:s9], $0x2FFFF;
	_ =	strace $0x9FFFFFFF  }
0xc8: {  	(tm) =	ssettm $0x7FFFFFFF  }
0xc9: {  	_ =	shalt  }
tec
execute0_lowered:
.L_overlay_start_1:
0x0: {  	(tag) =	ssettag $0x1  }
0x1: {  	s0 =	rddreg [dreg:$0x0]  }
0x2: {  	s1 =	rddreg [dreg:$0x1]  }
0x3: {  	s5 =	rddreg [dreg:$0x2]  }
0x4: {  	s6 =	rddreg [dreg:$0x3]  }
0x5: {  	s2 =	rddreg [dreg:$0x4];
	s14 =	stileid.u32  }
0x6: {  	s4 =	srdreg.scid;
	s9 =	smul.u32 $0x18800, s14  }
0x7: {  	s3 =	rddreg [dreg:$0x5];
	s15 =	simm.s32 $0x1D4B8;
	s11 =	smul.u32 $0x310, s14  }
0x8: {  	s7 =	sand.u32 $0x1, s4;
	s4 =	simm.s32 $0x0;
	s20 =	smul.u32 $0x187, s14  }
0x9: {  	s18 =	simm.s32 $0x1D8B8;
	s13 =	smul.u32 $0x3100, s14;
	[smem:$0x7FF] =	sst s4  }
0xa: {  	s8 =	smul.u32 $0x188000, s7;
	_ =	strace $0x80000047;
	[dreg:$0x9] =	wrdreg s15  }
0xb: {  	s10 =	ssub.s32 $0x2, s7;
	s23 =	sadd.s32 s1, s20;
	[dreg:$0xa] =	wrdreg s18  }
0xc: {  	s19 =	sadd.s32 $0x300, s11;
	s1 =	sadd.s32 $0x16E9, s1;
	[dreg:$0x11] =	wrdreg s23  }
0xd: {  	s26 =	sshrl.u32 s13, $0x4;
	s8 =	sadd.s32 s9, s8;
	[dreg:$0x12] =	wrdreg s1  }
0xe: {  	s1 =	sadd.s32 s9, s2;
	s9 =	sshrl.u32 s13, $0x1;
	s13 =	simm.s32 $0x1D0B8  }
0xf: {  	s11 =	smul.u32 $0x18700, s14;
	s23 =	simm.s32 $0x1E4B8;
	[dreg:$0x8] =	wrdreg s13  }
0x10: {  	s12 =	sshrl.u32 s10, $0x1;
	s21 =	sshll.u32 s19, $0x7;
	[dreg:$0xd] =	wrdreg s23  }
0x11: {  	s10 =	ssub.s32 s10, s12;
	s12 =	sadd.s32 s21, s2;
	[smem:$0x7FB] =	sst s11  }
0x12: {  	s8 =	sshrl.u32 s8, $0x3;
	s10 =	smax.u32 s10, $0x1;
	[dreg:$0xf] =	wrdreg s12  }
0x13: {  	s21 =	simm.s32 $0x1E0B8;
	s5 =	sadd.s32 s8, s5;
	[dreg:$0x16] =	wrdreg s10  }
0x14: {  	s8 =	sshll.u32 s19, $0x3;
	s19 =	simm.s32 $0x1DCB8;
	[dreg:$0xc] =	wrdreg s21  }
0x15: {  	s12 =	sshrl.u32 s1, $0x3;
	[dreg:$0xb] =	wrdreg s19  }
0x16: {  	s8 =	sadd.s32 s8, s3;
	[dreg:$0x1c] =	wrdreg s12  }
0x17: {  	s25 =	sadd.s32 $0xA00, s5;
	[dreg:$0x10] =	wrdreg s8  }
0x18: {  	s22 =	sshll.u32 s7, $0x7;
	s5 =	sadd.s32 s6, s26;
	[dreg:$0x14] =	wrdreg s25  }
0x19: {  	s8 =	sadd.s32 s0, s22;
	[dreg:$0x15] =	wrdreg s5;
	s25 =	simm.s32 $0x1E8B8  }
0x1a: {  	s0 =	sadd.s32 s11, s0;
	s24 =	sadd.s32 $0x186900, s8;
	[dreg:$0xe] =	wrdreg s25  }
0x1b: {  	s0 =	sadd.s32 s22, s0;
	[dreg:$0x13] =	wrdreg s24  }
0x1c: {  	p0 =	sne.s32 s7, $0x0;
	s10 =	sadd.s32 s11, s8;
	[dreg:$0x7] =	wrdreg s0  }
0x1d: {  	s16 =	sadd.s32 $0x100, s8;
	s1 =	sadd.s32 $0x600, s8;
	[dreg:$0x17] =	wrdreg s10  }
0x1e: {  	s28 =	sadd.s32 $0x200, s8;
	s17 =	sadd.s32 s11, s16;
	[smem:$0x7FD] =	sst s1  }
0x1f: {  	s30 =	sadd.s32 $0x300, s8;
	s20 =	sadd.s32 s11, s28;
	[dreg:$0x18] =	wrdreg s17  }
0x20: {  	s5 =	sadd.s32 s9, s3;
	s26 =	sadd.s32 s11, s30;
	[dreg:$0x19] =	wrdreg s20  }
0x21: {  	s29 =	sadd.s32 $0x400, s8;
	s0 =	sshrl.u32 @!p0 s5, $0x3;
	[dreg:$0x1a] =	wrdreg s26  }
0x22: {  	s31 =	simm.s32 $0x1B0B8;
	s13 =	sadd.s32 s11, s29;
	[dreg:$0x1d] =	wrdreg s0  }
0x23: {  	p1 =	seq.s32 s14, $0xF;
	s15 =	sadd.s32 s11, s1;
	[dreg:$0x1e] =	wrdreg s13  }
0x24: {  	s12 =	simm.s32 $0x2;
	s18 =	sadd.s32 $0x18000, s10;
	[smem:$0x7F2] =	sst s15  }
0x25: {  	s22 =	smul.u32 $0x6200, s14;
	s19 =	sadd.s32 $0x18100, s10;
	[smem:$0x7F4] =	sst s18  }
0x26: {  	s24 =	smul.u32 $0x62000, s14;
	s21 =	sadd.s32 $0x18200, s10;
	[smem:$0x7F5] =	sst s19  }
0x27: {  	s23 =	sadd.s32 $0x18300, s10;
	s25 =	sadd.s32 $0x18500, s10;
	[smem:$0x7F6] =	sst s21  }
0x28: {  	s5 =	simm.s32 $0x1B8B8;
	s6 =	sshrl.u32 s22, $0x2;
	[smem:$0x7F7] =	sst s23  }
0x29: {  	s20 =	sadd.s32 $0x500, s8;
	[smem:$0x7F9] =	sst s25;
	s26 =	sadd.s32 $0x18600, s10  }
0x2a: {  	s19 =	simm.s32 $0x4;
	s21 =	simm.s32 $0x1ECB8;
	s18 =	simm.s32 $0x1B4B8  }
0x2b: {  	s25 =	simm.s32 $0x1C4B8;
	s13 =	simm.s32 $0x3;
	s15 =	simm.s32 $0x0  }
0x2c: {  	s7 =	sshrl.u32 s24, $0x2;
	s14 =	sadd.s32 s11, s20;
	[smem:$0x7FA] =	sst s26  }
0x2d: {  	s22 =	sadd.s32 s6, s3;
	s24 =	sadd.s32 $0x18400, s10;
	[dreg:$0x1f] =	wrdreg s14  }
0x2e: {  	s6 =	simm.s32 $0x1CCB8;
	s10 =	simm.s32 $0x40;
	[smem:$0x7F8] =	sst s24  }
0x2f: {  	s9 =	sadd.s32 s7, s2;
	s7 =	sadd.s32 $0x700, s8;
	[smem:$0x7FC] =	sst s22  }
0x30: {  	s24 =	simm.s32 $0x1C0B8;
	[dreg:$0x1b] =	wrdreg s9;
	s17 =	sadd.s32 s11, s7  }
0x31: {  	v0 =	vimm.f32 $0.0e+00;
	v1 =	vimm.s32 $0x0;
	v2 =	vimm.s32 $0x10001;
	s9 =	simm.s32 $0x1;
	[smem:$0x7F3] =	sst s17;
	s17 =	simm.s32 $0x1ACB8  }
.LBB2_1:
0x32: {  	s14 =	simm.s32 $0x1ACF8  }
0x33: {  	[tilespmem:s14+$0xFFFFFFD0] =	vst v0  }
0x34: {  	[tilespmem:s14+$0xFFFFFFE0] =	vst v0  }
0x35: {  	[tilespmem:s14+$0xFFFFFFF0] =	vst v0  }
0x36: {  	[tilespmem:s14+$0x0] =	vst v0  }
0x37: {  	[tilespmem:s14+$0x10] =	vst v0  }
0x38: {  	[tilespmem:s14+$0x20] =	vst v0  }
0x39: {  	[tilespmem:s14+$0x30] =	vst v0  }
0x3a: {  	[smem:$0x7F1] =	sst s15;
	s23 =	simm.s32 $0x0;
	s15 =	simm.s32 $0x40;
	[tilespmem:s14+$0xFFFFFFC0] =	vst v0  }
.LBB2_2:
0x3b: {  	p2 =	sne.s32 s15, $0xFC0;
	[tilespmem:s23+$0x1ECB8] =	vst v1;
	s14 =	sadd.s32 $0x80, s14  }
0x3c: {  	[tilespmem:s14+$0xFFFFFFD0] =	vst v0  }
0x3d: {  	[tilespmem:s14+$0xFFFFFFE0] =	vst v0  }
0x3e: {  	[tilespmem:s14+$0xFFFFFFF0] =	vst v0  }
.Ltmp0:
0x3f: {  	[tilespmem:s14+$0x0] =	vst v0;
	(pc) =	sbr.rel @p2 .LBB2_2-.Ltmp0, $4  }
0x40: {  	[tilespmem:s14+$0x10] =	vst v0  }
0x41: {  	[tilespmem:s14+$0x20] =	vst v0  }
0x42: {  	[tilespmem:s14+$0x30] =	vst v0  }
0x43: {  	s23 =	sshra.s32 s15, $0x2;
	s15 =	sadd.s32 $0x40, s15;
	[tilespmem:s14+$0xFFFFFFC0] =	vst v0  }
0x44: {  	[tilespmem:s23+$0x1ECB8] =	vst v1;
	s15 =	rddreg [dreg:$0x1b]  }
0x45: {  	[spmem:s15] =	stream.linear.scatter [tilespmem:s17], [sflag:$0x4], $0x2000, $0x38;
	[tilespmem:$0x1EEB8] =	vst v63  }
0x46: {  	_ =	swait.ge [sflag:s19], $0x2000  }
0x47: {  	[sflag:s19] =	ssyncset.done $0x0  }
0x48: {  	s14 =	sadd.s32 $0x0, s22;
	[sflag:s19] =	ssyncadd.s32 $0xFFFFE000  }
0x49: {  	[spmem:s14] =	stream.linear.scatter [tilespmem:s21], [sflag:$0x4], $0x200, $0x38;
	[tilespmem:$0x1EEB8] =	vst v63  }
0x4a: {  	_ =	swait.ge [sflag:s19], $0x200  }
0x4b: {  	s14 =	simm.s32 $0x800;
	[sflag:s19] =	ssyncset.done $0x0  }
.LBB2_4:
0x4c: {  	p2 =	sne.s32 s14, $0x5800;
	[sflag:s19] =	ssyncadd.s32 $0xFFFFFE00;
	s15 =	sadd.s32 $0x2000, s15  }
0x4d: {  	[spmem:s15] =	stream.linear.scatter [tilespmem:s17], [sflag:$0x4], $0x2000, $0x38;
	[tilespmem:$0x1EEB8] =	vst v63  }
0x4e: {  	s23 =	smov.u32 s14;
	s14 =	sadd.s32 $0x800, s14;
	_ =	swait.ge [sflag:s19], $0x2000  }
.Ltmp1:
0x4f: {  	s23 =	sshra.s32 s23, $0x2;
	[sflag:s19] =	ssyncset.done $0x0;
	(pc) =	sbr.rel @p2 .LBB2_4-.Ltmp1, $4  }
0x50: {  	s23 =	sadd.s32 s23, s22;
	[sflag:s19] =	ssyncadd.s32 $0xFFFFE000  }
0x51: {  	[spmem:s23] =	stream.linear.scatter [tilespmem:s21], [sflag:$0x4], $0x200, $0x38;
	[tilespmem:$0x1EEB8] =	vst v63  }
0x52: {  	_ =	swait.ge [sflag:s19], $0x200  }
0x53: {  	[sflag:s19] =	ssyncset.done $0x0  }
0x54: {  	[sflag:s19] =	ssyncadd.s32 $0xFFFFFE00;
	s0 =	rddreg [dreg:$0xf]  }
0x55: {  	[spmem:s0] =	stream.linear.scatter [tilespmem:s17], [sflag:$0x4], $0x800, $0x38;
	[tilespmem:$0x1EEB8] =	vst v63  }
0x56: {  	_ =	swait.ge [sflag:s19], $0x800  }
0x57: {  	[sflag:s19] =	ssyncset.done $0x0  }
0x58: {  	s15 =	rddreg [dreg:$0x10];
	[sflag:s19] =	ssyncadd.s32 $0xFFFFF800  }
0x59: {  	[spmem:s15] =	stream.linear.scatter [tilespmem:s21], [sflag:$0x4], $0x80, $0x38;
	[tilespmem:$0x1EEB8] =	vst v63  }
0x5a: {  	_ =	swait.ge [sflag:s19], $0x80  }
0x5b: {  	[sflag:s19] =	ssyncset.done $0x0  }
0x5c: {  	[sflag:s19] =	ssyncadd.s32 $0xFFFFFF80  }
0x5d: {  	[tilespmem:$0x1ECB8] =	vst v2  }
0x5e: {  	[tilespmem:$0x1ECC8] =	vst v2  }
0x5f: {  	[tilespmem:$0x1ECD8] =	vst v2  }
0x60: {  	[tilespmem:$0x1ECE8] =	vst v2  }
0x61: {  	[tilespmem:$0x1ECF8] =	vst v2  }
0x62: {  	[tilespmem:$0x1ED08] =	vst v2  }
0x63: {  	[tilespmem:$0x1ED18] =	vst v2  }
0x64: {  	[tilespmem:$0x1ED28] =	vst v2  }
0x65: {  	[tilespmem:$0x1ED38] =	vst v2  }
0x66: {  	[tilespmem:$0x1ED48] =	vst v2  }
0x67: {  	[tilespmem:$0x1ED58] =	vst v2  }
0x68: {  	[tilespmem:$0x1ED68] =	vst v2  }
0x69: {  	[tilespmem:$0x1ED78] =	vst v2  }
0x6a: {  	[tilespmem:$0x1ED88] =	vst v2  }
0x6b: {  	[tilespmem:$0x1ED98] =	vst v2  }
0x6c: {  	[tilespmem:$0x1EDA8] =	vst v2  }
0x6d: {  	[tilespmem:$0x1EDB8] =	vst v2  }
0x6e: {  	[tilespmem:$0x1EDC8] =	vst v2  }
0x6f: {  	[tilespmem:$0x1EDD8] =	vst v2  }
0x70: {  	[tilespmem:$0x1EDE8] =	vst v2  }
0x71: {  	[tilespmem:$0x1EDF8] =	vst v2  }
0x72: {  	[tilespmem:$0x1EE08] =	vst v2  }
0x73: {  	[tilespmem:$0x1EE18] =	vst v2  }
0x74: {  	[tilespmem:$0x1EE28] =	vst v2  }
0x75: {  	[tilespmem:$0x1EE38] =	vst v2  }
0x76: {  	[tilespmem:$0x1EE48] =	vst v2  }
0x77: {  	[tilespmem:$0x1EE58] =	vst v2  }
0x78: {  	[tilespmem:$0x1EE68] =	vst v2  }
0x79: {  	[tilespmem:$0x1EE78] =	vst v2  }
0x7a: {  	[tilespmem:$0x1EE88] =	vst v2  }
0x7b: {  	[tilespmem:$0x1EE98] =	vst v2  }
0x7c: {  	s14 =	simm.s32 @p1 $0x0;
	s15 =	simm.s32 @p1 $0x1A080;
	s0 =	rddreg [dreg:$0x12];
	[tilespmem:$0x1EEA8] =	vst v2  }
0x7d: {  	[tilespmem:s15], [sflag:$0x4] =	stream.linear.gather @p1 [hbm4b:s0+s14], $0xC08, $0x38;
	[tilespmem:$0x1EEB8] =	vst v63  }
0x7e: {  	s14 =	simm.s32 @p1 $0x4  }
0x7f: {  	_ =	swait.ge @p1 [sflag:s14], $0xC08  }
0x80: {  	s15 =	simm.s32 @!p1 $0x1A080;
	[sflag:s14] =	ssyncset.done @p1 $0x0  }
0x81: {  	s0 =	rddreg [dreg:$0x11];
	[sflag:s14] =	ssyncadd.s32 @p1 $0xFFFFF3F8;
	s14 =	simm.s32 @!p1 $0x0  }
0x82: {  	[tilespmem:s15], [sflag:$0x4] =	stream.linear.gather @!p1 [hbm4b:s0+s14], $0xC38, $0x38;
	[tilespmem:$0x1EEB8] =	vst v63  }
0x83: {  	s14 =	simm.s32 @!p1 $0x4  }
0x84: {  	_ =	swait.ge @!p1 [sflag:s14], $0xC38  }
0x85: {  	[sflag:s14] =	ssyncset.done @!p1 $0x0  }
0x86: {  	[sflag:s14] =	ssyncadd.s32 @!p1 $0xFFFFF3C8  }
0x87: {  	[bflag:$0x0] =	sbarrier.arrive $0xFFFF  }
0x88: {  	s22 =	rddreg [dreg:$0x17]  }
0x89: {  	s15 =	simm.s32 $0x0;
	s23 =	rddreg [dreg:$0x18]  }
0x8a: {  	[tilespmem:s17], [sflag:$0x1] =	stream.linear.gather [hbm4b:s22+s15], $0x400, $0x38;
	[tilespmem:$0x1EEB8] =	vst v63  }
0x8b: {  	s26 =	rddreg [dreg:$0x19]  }
0x8c: {  	[tilespmem:s31], [sflag:$0x1] =	stream.linear.gather [hbm4b:s23+s15], $0x400, $0x38;
	[tilespmem:$0x1EEB8] =	vst v63  }
0x8d: {  	s1 =	rddreg [dreg:$0x1a]  }
0x8e: {  	[tilespmem:s18], [sflag:$0x1] =	stream.linear.gather [hbm4b:s26+s15], $0x400, $0x38;
	[tilespmem:$0x1EEB8] =	vst v63  }
0x8f: {  	s14 =	rddreg [dreg:$0x1e]  }
0x90: {  	[tilespmem:s5], [sflag:$0x1] =	stream.linear.gather [hbm4b:s1+s15], $0x400, $0x38;
	[tilespmem:$0x1EEB8] =	vst v63  }
0x91: {  	s22 =	rddreg [dreg:$0x1f];
	s5 =	simm.s32 $0x1BCB8  }
0x92: {  	[tilespmem:s5], [sflag:$0x1] =	stream.linear.gather [hbm4b:s14+s15], $0x400, $0x38;
	[tilespmem:$0x1EEB8] =	vst v63  }
0x93: {  	s23 =	sld [smem:$0x7F2]  }
0x94: {  	[tilespmem:s24], [sflag:$0x1] =	stream.linear.gather [hbm4b:s22+s15], $0x400, $0x38;
	[tilespmem:$0x1EEB8] =	vst v63  }
0x95: {  	_ = 	snop  }
0x96: {  	[tilespmem:s25], [sflag:$0x1] =	stream.linear.gather [hbm4b:s23+s15], $0x400, $0x38;
	[tilespmem:$0x1EEB8] =	vst v63  }
0x97: {  	s25 =	sld [smem:$0x7F3]  }
0x98: {  	s24 =	rddreg [dreg:$0x7]  }
0x99: {  	s22 =	simm.s32 $0x1C8B8;
	s14 =	sadd.s32 $0x0, s24  }
0x9a: {  	[tilespmem:s22], [sflag:$0x1] =	stream.linear.gather [hbm4b:s25+s15], $0x400, $0x38;
	[tilespmem:$0x1EEB8] =	vst v63  }
0x9b: {  	s26 =	sadd.s32 $0x800, s14  }
0x9c: {  	[tilespmem:s6], [sflag:$0x2] =	stream.linear.gather [hbm4b:s26+s4], $0x400, $0x38;
	[tilespmem:$0x1EEB8] =	vst v63  }
0x9d: {  	s23 =	rddreg [dreg:$0x8];
	s24 =	sadd.s32 $0x900, s14  }
0x9e: {  	[tilespmem:s23], [sflag:$0x2] =	stream.linear.gather [hbm4b:s24+s4], $0x400, $0x38;
	[tilespmem:$0x1EEB8] =	vst v63  }
0x9f: {  	s25 =	rddreg [dreg:$0x9];
	s23 =	sadd.s32 $0xA00, s14  }
0xa0: {  	[tilespmem:s25], [sflag:$0x2] =	stream.linear.gather [hbm4b:s23+s4], $0x400, $0x38;
	[tilespmem:$0x1EEB8] =	vst v63  }
0xa1: {  	s24 =	rddreg [dreg:$0xa];
	s23 =	sadd.s32 $0xB00, s14  }
0xa2: {  	[tilespmem:s24], [sflag:$0x2] =	stream.linear.gather [hbm4b:s23+s4], $0x400, $0x38;
	[tilespmem:$0x1EEB8] =	vst v63  }
0xa3: {  	s25 =	rddreg [dreg:$0xb];
	s23 =	sadd.s32 $0xC00, s14  }
0xa4: {  	[tilespmem:s25], [sflag:$0x2] =	stream.linear.gather [hbm4b:s23+s4], $0x400, $0x38;
	[tilespmem:$0x1EEB8] =	vst v63  }
0xa5: {  	s24 =	rddreg [dreg:$0xc];
	s23 =	sadd.s32 $0xD00, s14  }
0xa6: {  	[tilespmem:s24], [sflag:$0x2] =	stream.linear.gather [hbm4b:s23+s4], $0x400, $0x38;
	[tilespmem:$0x1EEB8] =	vst v63  }
0xa7: {  	s25 =	rddreg [dreg:$0xd];
	s23 =	sadd.s32 $0xE00, s14  }
0xa8: {  	[tilespmem:s25], [sflag:$0x2] =	stream.linear.gather [hbm4b:s23+s4], $0x400, $0x38;
	[tilespmem:$0x1EEB8] =	vst v63  }
0xa9: {  	s24 =	rddreg [dreg:$0xe];
	s14 =	sadd.s32 $0xF00, s14  }
0xaa: {  	[tilespmem:s24], [sflag:$0x2] =	stream.linear.gather [hbm4b:s14+s4], $0x400, $0x38;
	[tilespmem:$0x1EEB8] =	vst v63  }
0xab: {  	_ =	swait.ge [sflag:s9], $0x400  }
0xac: {  	[sflag:s9] =	ssyncset.done $0x0  }
0xad: {  	[sflag:s9] =	ssyncadd.s32 $0xFFFFFC00  }
0xae: {  	_ =	swait.ge [sflag:s9], $0x400  }
0xaf: {  	[sflag:s9] =	ssyncset.done $0x0  }
0xb0: {  	[sflag:s9] =	ssyncadd.s32 $0xFFFFFC00  }
0xb1: {  	_ =	swait.ge [sflag:s9], $0x400  }
0xb2: {  	[sflag:s9] =	ssyncset.done $0x0  }
0xb3: {  	[sflag:s9] =	ssyncadd.s32 $0xFFFFFC00  }
0xb4: {  	_ =	swait.ge [sflag:s9], $0x400  }
0xb5: {  	[sflag:s9] =	ssyncset.done $0x0  }
0xb6: {  	[sflag:s9] =	ssyncadd.s32 $0xFFFFFC00  }
0xb7: {  	_ =	swait.ge [sflag:s9], $0x400  }
0xb8: {  	[sflag:s9] =	ssyncset.done $0x0  }
0xb9: {  	[sflag:s9] =	ssyncadd.s32 $0xFFFFFC00  }
0xba: {  	_ =	swait.ge [sflag:s9], $0x400  }
0xbb: {  	[sflag:s9] =	ssyncset.done $0x0  }
0xbc: {  	[sflag:s9] =	ssyncadd.s32 $0xFFFFFC00  }
0xbd: {  	_ =	swait.ge [sflag:s9], $0x400  }
0xbe: {  	[sflag:s9] =	ssyncset.done $0x0  }
0xbf: {  	[sflag:s9] =	ssyncadd.s32 $0xFFFFFC00  }
0xc0: {  	_ =	swait.ge [sflag:s9], $0x400  }
0xc1: {  	p2 =	por $0x1, $0x1;
	s14 =	simm.s32 $0x0;
	[sflag:s9] =	ssyncset.done $0x0  }
0xc2: {  	s23 =	simm.s32 $0x1A080;
	s14 =	simm.s32 @!p2 $0x2D;
	[sflag:s9] =	ssyncadd.s32 $0xFFFFFC00  }
0xc3: {  	[spmem:s2] =	stream.indirect.scatter.add.f32 [tilespmem:s17], [sflag:$0x4], $0x80, s23, s10, $0xb8;
	[tilespmem:$0x1EEB8] =	vst v63  }
0xc4: {  	s14 =	sshll.u32 s14, $0xB;
	_ =	swait.ge [sflag:s19], $0x2000  }
0xc5: {  	s14 =	sadd.s32 s14, s11;
	[sflag:s19] =	ssyncset.done $0x0  }
0xc6: {  	s14 =	sadd.s32 $0x1000, s14;
	[sflag:s19] =	ssyncadd.s32 $0xFFFFE000  }
0xc7: {  	[spmem:s3] =	stream.indirect.scatter.add.s16 [tilespmem:s21], [sflag:$0x3], $0x8, s23, s10, $0xb8;
	[tilespmem:$0x1EEB8] =	vst v63  }
0xc8: {  	s25 =	sadd.s32 s14, s8  }
0xc9: {  	[tilespmem:s17], [sflag:$0x1] =	stream.linear.gather [hbm4b:s25+s4], $0x400, $0x38;
	[tilespmem:$0x1EEB8] =	vst v63  }
0xca: {  	s25 =	sadd.s32 s16, s14  }
0xcb: {  	[tilespmem:s31], [sflag:$0x1] =	stream.linear.gather [hbm4b:s25+s4], $0x400, $0x38;
	[tilespmem:$0x1EEB8] =	vst v63  }
0xcc: {  	s1 =	simm.s32 $0x1B4B8;
	s31 =	sadd.s32 s28, s14  }
0xcd: {  	[tilespmem:s1], [sflag:$0x1] =	stream.linear.gather [hbm4b:s31+s4], $0x400, $0x38;
	[tilespmem:$0x1EEB8] =	vst v63  }
0xce: {  	s18 =	simm.s32 $0x1B8B8;
	s1 =	sadd.s32 s30, s14  }
0xcf: {  	[tilespmem:s18], [sflag:$0x1] =	stream.linear.gather [hbm4b:s1+s4], $0x400, $0x38;
	[tilespmem:$0x1EEB8] =	vst v63  }
0xd0: {  	s18 =	sadd.s32 s29, s14;
	s1 =	sld [smem:$0x7FD]  }
0xd1: {  	[tilespmem:s5], [sflag:$0x1] =	stream.linear.gather [hbm4b:s18+s4], $0x400, $0x38;
	[tilespmem:$0x1EEB8] =	vst v63  }
0xd2: {  	s0 =	simm.s32 $0x1C0B8;
	s25 =	sadd.s32 s20, s14  }
0xd3: {  	[tilespmem:s0], [sflag:$0x1] =	stream.linear.gather [hbm4b:s25+s4], $0x400, $0x38;
	[tilespmem:$0x1EEB8] =	vst v63  }
0xd4: {  	s26 =	simm.s32 $0x1C4B8;
	s31 =	sadd.s32 s1, s14  }
0xd5: {  	[tilespmem:s26], [sflag:$0x1] =	stream.linear.gather [hbm4b:s31+s4], $0x400, $0x38;
	[tilespmem:$0x1EEB8] =	vst v63  }
0xd6: {  	s14 =	sadd.s32 s7, s14  }
0xd7: {  	[tilespmem:s22], [sflag:$0x1] =	stream.linear.gather [hbm4b:s14+s4], $0x400, $0x38;
	[tilespmem:$0x1EEB8] =	vst v63  }
0xd8: {  	_ =	swait.ge [sflag:s12], $0x400  }
0xd9: {  	[sflag:s12] =	ssyncset.done $0x0  }
0xda: {  	[sflag:s12] =	ssyncadd.s32 $0xFFFFFC00  }
0xdb: {  	_ =	swait.ge [sflag:s12], $0x400  }
0xdc: {  	[sflag:s12] =	ssyncset.done $0x0  }
0xdd: {  	[sflag:s12] =	ssyncadd.s32 $0xFFFFFC00  }
0xde: {  	_ =	swait.ge [sflag:s12], $0x400  }
0xdf: {  	[sflag:s12] =	ssyncset.done $0x0  }
0xe0: {  	[sflag:s12] =	ssyncadd.s32 $0xFFFFFC00  }
0xe1: {  	_ =	swait.ge [sflag:s12], $0x400  }
0xe2: {  	[sflag:s12] =	ssyncset.done $0x0  }
0xe3: {  	[sflag:s12] =	ssyncadd.s32 $0xFFFFFC00  }
0xe4: {  	_ =	swait.ge [sflag:s12], $0x400  }
0xe5: {  	[sflag:s12] =	ssyncset.done $0x0  }
0xe6: {  	[sflag:s12] =	ssyncadd.s32 $0xFFFFFC00  }
0xe7: {  	_ =	swait.ge [sflag:s12], $0x400  }
0xe8: {  	[sflag:s12] =	ssyncset.done $0x0  }
0xe9: {  	[sflag:s12] =	ssyncadd.s32 $0xFFFFFC00  }
0xea: {  	_ =	swait.ge [sflag:s12], $0x400  }
0xeb: {  	[sflag:s12] =	ssyncset.done $0x0  }
0xec: {  	[sflag:s12] =	ssyncadd.s32 $0xFFFFFC00  }
0xed: {  	s24 =	simm.s32 $0x2000;
	s5 =	simm.s32 $0x1B4B8;
	_ =	swait.ge [sflag:s12], $0x400  }
0xee: {  	s25 =	simm.s32 $0x1A0C0;
	s26 =	simm.s32 $0x1CCB8;
	[sflag:s12] =	ssyncset.done $0x0  }
0xef: {  	s14 =	simm.s32 $0x1000;
	s22 =	smov.u32 s30;
	[sflag:s12] =	ssyncadd.s32 $0xFFFFFC00  }
0xf0: {  	[spmem:s2] =	stream.indirect.scatter.add.f32 [tilespmem:s6], [sflag:$0x4], $0x80, s25, s10, $0xb8;
	[tilespmem:$0x1EEB8] =	vst v63  }
0xf1: {  	s30 =	smov.u32 s20;
	s20 =	smov.u32 s28;
	_ =	swait.ge [sflag:s19], $0x2000  }
0xf2: {  	s6 =	simm.s32 $0x1B8B8;
	s28 =	rddreg [dreg:$0x7];
	[sflag:s19] =	ssyncset.done $0x0  }
.LBB2_6:
0xf3: {  	[sflag:s19] =	ssyncadd.s32 $0xFFFFE000  }
0xf4: {  	[spmem:s3] =	stream.indirect.scatter.add.s16 [tilespmem:s21], [sflag:$0x3], $0x8, s25, s10, $0xb8;
	[tilespmem:$0x1EEB8] =	vst v63  }
0xf5: {  	s25 =	sadd.s32 s14, s28  }
0xf6: {  	s31 =	sadd.s32 $0x800, s25  }
0xf7: {  	[tilespmem:s26], [sflag:$0x2] =	stream.linear.gather [hbm4b:s31+s4], $0x400, $0x38;
	[tilespmem:$0x1EEB8] =	vst v63  }
0xf8: {  	s28 =	rddreg [dreg:$0x8];
	s31 =	sadd.s32 $0x900, s25  }
0xf9: {  	[tilespmem:s28], [sflag:$0x2] =	stream.linear.gather [hbm4b:s31+s4], $0x400, $0x38;
	[tilespmem:$0x1EEB8] =	vst v63  }
0xfa: {  	s0 =	rddreg [dreg:$0x9];
	s28 =	sadd.s32 $0xA00, s25  }
0xfb: {  	[tilespmem:s0], [sflag:$0x2] =	stream.linear.gather [hbm4b:s28+s4], $0x400, $0x38;
	[tilespmem:$0x1EEB8] =	vst v63  }
0xfc: {  	s18 =	sadd.s32 $0xB00, s25;
	s31 =	rddreg [dreg:$0xa]  }
0xfd: {  	[tilespmem:s31], [sflag:$0x2] =	stream.linear.gather [hbm4b:s18+s4], $0x400, $0x38;
	[tilespmem:$0x1EEB8] =	vst v63  }
0xfe: {  	s28 =	rddreg [dreg:$0xb];
	s18 =	sadd.s32 $0xC00, s25  }
0xff: {  	[tilespmem:s28], [sflag:$0x2] =	stream.linear.gather [hbm4b:s18+s4], $0x400, $0x38;
	[tilespmem:$0x1EEB8] =	vst v63  }
0x100: {  	s31 =	rddreg [dreg:$0xc];
	s18 =	sadd.s32 $0xD00, s25  }
0x101: {  	[tilespmem:s31], [sflag:$0x2] =	stream.linear.gather [hbm4b:s18+s4], $0x400, $0x38;
	[tilespmem:$0x1EEB8] =	vst v63  }
0x102: {  	s28 =	rddreg [dreg:$0xd];
	s18 =	sadd.s32 $0xE00, s25  }
0x103: {  	[tilespmem:s28], [sflag:$0x2] =	stream.linear.gather [hbm4b:s18+s4], $0x400, $0x38;
	[tilespmem:$0x1EEB8] =	vst v63  }
0x104: {  	s31 =	rddreg [dreg:$0xe];
	s25 =	sadd.s32 $0xF00, s25  }
0x105: {  	[tilespmem:s31], [sflag:$0x2] =	stream.linear.gather [hbm4b:s25+s4], $0x400, $0x38;
	[tilespmem:$0x1EEB8] =	vst v63  }
0x106: {  	_ =	swait.ge [sflag:s9], $0x400  }
0x107: {  	[sflag:s9] =	ssyncset.done $0x0  }
0x108: {  	[sflag:s9] =	ssyncadd.s32 $0xFFFFFC00  }
0x109: {  	_ =	swait.ge [sflag:s9], $0x400  }
0x10a: {  	[sflag:s9] =	ssyncset.done $0x0  }
0x10b: {  	[sflag:s9] =	ssyncadd.s32 $0xFFFFFC00  }
0x10c: {  	_ =	swait.ge [sflag:s9], $0x400  }
0x10d: {  	[sflag:s9] =	ssyncset.done $0x0  }
0x10e: {  	[sflag:s9] =	ssyncadd.s32 $0xFFFFFC00  }
0x10f: {  	_ =	swait.ge [sflag:s9], $0x400  }
0x110: {  	[sflag:s9] =	ssyncset.done $0x0  }
0x111: {  	[sflag:s9] =	ssyncadd.s32 $0xFFFFFC00  }
0x112: {  	_ =	swait.ge [sflag:s9], $0x400  }
0x113: {  	[sflag:s9] =	ssyncset.done $0x0  }
0x114: {  	[sflag:s9] =	ssyncadd.s32 $0xFFFFFC00  }
0x115: {  	_ =	swait.ge [sflag:s9], $0x400  }
0x116: {  	[sflag:s9] =	ssyncset.done $0x0  }
0x117: {  	[sflag:s9] =	ssyncadd.s32 $0xFFFFFC00  }
0x118: {  	_ =	swait.ge [sflag:s9], $0x400  }
0x119: {  	[sflag:s9] =	ssyncset.done $0x0  }
0x11a: {  	[sflag:s9] =	ssyncadd.s32 $0xFFFFFC00  }
0x11b: {  	s15 =	sadd.s32 $0x2, s15;
	_ =	swait.ge [sflag:s9], $0x400  }
0x11c: {  	p3 =	slt.s32 s15, $0x2D;
	s0 =	smov.u32 s15;
	[sflag:s9] =	ssyncset.done $0x0  }
0x11d: {  	s23 =	sadd.s32 $0x80, s23;
	s0 =	simm.s32 @!p3 $0x2D;
	[sflag:s9] =	ssyncadd.s32 $0xFFFFFC00  }
0x11e: {  	[spmem:s2] =	stream.indirect.scatter.add.f32 [tilespmem:s17], [sflag:$0x4], $0x80, s23, s10, $0xb8;
	[tilespmem:$0x1EEB8] =	vst v63  }
0x11f: {  	s0 =	sshll.u32 s0, $0xB;
	_ =	swait.ge [sflag:s19], $0x2000  }
0x120: {  	s0 =	sadd.s32 s0, s11;
	[sflag:s19] =	ssyncset.done $0x0  }
0x121: {  	s0 =	sadd.s32 $0x1000, s0;
	[sflag:s19] =	ssyncadd.s32 $0xFFFFE000  }
0x122: {  	[spmem:s3] =	stream.indirect.scatter.add.s16 [tilespmem:s21], [sflag:$0x3], $0x8, s23, s10, $0xb8;
	[tilespmem:$0x1EEB8] =	vst v63  }
0x123: {  	s18 =	sadd.s32 s0, s8  }
0x124: {  	[tilespmem:s17], [sflag:$0x1] =	stream.linear.gather [hbm4b:s18+s4], $0x400, $0x38;
	[tilespmem:$0x1EEB8] =	vst v63  }
0x125: {  	s28 =	sadd.s32 s16, s0;
	s31 =	simm.s32 $0x1B0B8  }
0x126: {  	[tilespmem:s31], [sflag:$0x1] =	stream.linear.gather [hbm4b:s28+s4], $0x400, $0x38;
	[tilespmem:$0x1EEB8] =	vst v63  }
0x127: {  	s18 =	sadd.s32 s20, s0  }
0x128: {  	[tilespmem:s5], [sflag:$0x1] =	stream.linear.gather [hbm4b:s18+s4], $0x400, $0x38;
	[tilespmem:$0x1EEB8] =	vst v63  }
0x129: {  	s28 =	sadd.s32 s22, s0  }
0x12a: {  	[tilespmem:s6], [sflag:$0x1] =	stream.linear.gather [hbm4b:s28+s4], $0x400, $0x38;
	[tilespmem:$0x1EEB8] =	vst v63  }
0x12b: {  	s25 =	sadd.s32 s29, s0;
	s18 =	simm.s32 $0x1BCB8  }
0x12c: {  	[tilespmem:s18], [sflag:$0x1] =	stream.linear.gather [hbm4b:s25+s4], $0x400, $0x38;
	[tilespmem:$0x1EEB8] =	vst v63  }
0x12d: {  	s28 =	sadd.s32 s30, s0;
	s18 =	simm.s32 $0x1C0B8  }
0x12e: {  	[tilespmem:s18], [sflag:$0x1] =	stream.linear.gather [hbm4b:s28+s4], $0x400, $0x38;
	[tilespmem:$0x1EEB8] =	vst v63  }
0x12f: {  	s25 =	sadd.s32 s1, s0;
	s18 =	simm.s32 $0x1C4B8  }
0x130: {  	[tilespmem:s18], [sflag:$0x1] =	stream.linear.gather [hbm4b:s25+s4], $0x400, $0x38;
	[tilespmem:$0x1EEB8] =	vst v63  }
0x131: {  	s0 =	sadd.s32 s7, s0;
	s18 =	simm.s32 $0x1C8B8  }
0x132: {  	[tilespmem:s18], [sflag:$0x1] =	stream.linear.gather [hbm4b:s0+s4], $0x400, $0x38;
	[tilespmem:$0x1EEB8] =	vst v63  }
0x133: {  	_ =	swait.ge [sflag:s12], $0x400  }
0x134: {  	[sflag:s12] =	ssyncset.done $0x0  }
0x135: {  	[sflag:s12] =	ssyncadd.s32 $0xFFFFFC00  }
0x136: {  	_ =	swait.ge [sflag:s12], $0x400  }
0x137: {  	[sflag:s12] =	ssyncset.done $0x0  }
0x138: {  	[sflag:s12] =	ssyncadd.s32 $0xFFFFFC00  }
0x139: {  	_ =	swait.ge [sflag:s12], $0x400  }
0x13a: {  	[sflag:s12] =	ssyncset.done $0x0  }
0x13b: {  	[sflag:s12] =	ssyncadd.s32 $0xFFFFFC00  }
0x13c: {  	_ =	swait.ge [sflag:s12], $0x400  }
0x13d: {  	[sflag:s12] =	ssyncset.done $0x0  }
0x13e: {  	[sflag:s12] =	ssyncadd.s32 $0xFFFFFC00  }
0x13f: {  	_ =	swait.ge [sflag:s12], $0x400  }
0x140: {  	[sflag:s12] =	ssyncset.done $0x0  }
0x141: {  	[sflag:s12] =	ssyncadd.s32 $0xFFFFFC00  }
0x142: {  	_ =	swait.ge [sflag:s12], $0x400  }
0x143: {  	[sflag:s12] =	ssyncset.done $0x0  }
0x144: {  	[sflag:s12] =	ssyncadd.s32 $0xFFFFFC00  }
0x145: {  	_ =	swait.ge [sflag:s12], $0x400  }
0x146: {  	[sflag:s12] =	ssyncset.done $0x0  }
0x147: {  	[sflag:s12] =	ssyncadd.s32 $0xFFFFFC00  }
0x148: {  	p2 =	sne.s32 s24, $0x17000;
	_ =	swait.ge [sflag:s12], $0x400  }
.Ltmp2:
0x149: {  	[sflag:s12] =	ssyncset.done $0x0;
	(pc) =	sbr.rel @p2 .LBB2_6-.Ltmp2, $4  }
0x14a: {  	s25 =	sadd.s32 $0x40, s23;
	[sflag:s12] =	ssyncadd.s32 $0xFFFFFC00  }
0x14b: {  	[spmem:s2] =	stream.indirect.scatter.add.f32 [tilespmem:s26], [sflag:$0x4], $0x80, s25, s10, $0xb8;
	[tilespmem:$0x1EEB8] =	vst v63  }
0x14c: {  	s14 =	smov.u32 s24;
	_ =	swait.ge [sflag:s19], $0x2000  }
0x14d: {  	s24 =	sadd.s32 $0x1000, s24;
	s28 =	rddreg [dreg:$0x7];
	[sflag:s19] =	ssyncset.done $0x0  }
0x14e: {  	[sflag:s19] =	ssyncadd.s32 $0xFFFFE000;
	s0 =	sadd.s32 s14, s28  }
0x14f: {  	[spmem:s3] =	stream.indirect.scatter.add.s16 [tilespmem:s21], [sflag:$0x3], $0x8, s25, s10, $0xb8;
	[tilespmem:$0x1EEB8] =	vst v63  }
0x150: {  	s24 =	sadd.s32 $0x800, s0  }
0x151: {  	[tilespmem:s26], [sflag:$0x2] =	stream.linear.gather [hbm4b:s24+s4], $0x400, $0x38;
	[tilespmem:$0x1EEB8] =	vst v63  }
0x152: {  	s14 =	rddreg [dreg:$0x8];
	s18 =	sadd.s32 $0x900, s0  }
0x153: {  	[tilespmem:s14], [sflag:$0x2] =	stream.linear.gather [hbm4b:s18+s4], $0x400, $0x38;
	[tilespmem:$0x1EEB8] =	vst v63  }
0x154: {  	s25 =	rddreg [dreg:$0x9];
	s18 =	sadd.s32 $0xA00, s0  }
0x155: {  	[tilespmem:s25], [sflag:$0x2] =	stream.linear.gather [hbm4b:s18+s4], $0x400, $0x38;
	[tilespmem:$0x1EEB8] =	vst v63  }
0x156: {  	s24 =	rddreg [dreg:$0xa];
	s18 =	sadd.s32 $0xB00, s0  }
0x157: {  	[tilespmem:s24], [sflag:$0x2] =	stream.linear.gather [hbm4b:s18+s4], $0x400, $0x38;
	[tilespmem:$0x1EEB8] =	vst v63  }
0x158: {  	s25 =	rddreg [dreg:$0xb];
	s18 =	sadd.s32 $0xC00, s0  }
0x159: {  	[tilespmem:s25], [sflag:$0x2] =	stream.linear.gather [hbm4b:s18+s4], $0x400, $0x38;
	[tilespmem:$0x1EEB8] =	vst v63  }
0x15a: {  	s24 =	rddreg [dreg:$0xc];
	s18 =	sadd.s32 $0xD00, s0  }
0x15b: {  	[tilespmem:s24], [sflag:$0x2] =	stream.linear.gather [hbm4b:s18+s4], $0x400, $0x38;
	[tilespmem:$0x1EEB8] =	vst v63  }
0x15c: {  	s25 =	rddreg [dreg:$0xd];
	s24 =	sadd.s32 $0xE00, s0  }
0x15d: {  	[tilespmem:s25], [sflag:$0x2] =	stream.linear.gather [hbm4b:s24+s4], $0x400, $0x38;
	[tilespmem:$0x1EEB8] =	vst v63  }
0x15e: {  	s18 =	rddreg [dreg:$0xe];
	s0 =	sadd.s32 $0xF00, s0  }
0x15f: {  	[tilespmem:s18], [sflag:$0x2] =	stream.linear.gather [hbm4b:s0+s4], $0x400, $0x38;
	[tilespmem:$0x1EEB8] =	vst v63  }
0x160: {  	_ =	swait.ge [sflag:s9], $0x400  }
0x161: {  	[sflag:s9] =	ssyncset.done $0x0  }
0x162: {  	[sflag:s9] =	ssyncadd.s32 $0xFFFFFC00  }
0x163: {  	_ =	swait.ge [sflag:s9], $0x400  }
0x164: {  	[sflag:s9] =	ssyncset.done $0x0  }
0x165: {  	[sflag:s9] =	ssyncadd.s32 $0xFFFFFC00  }
0x166: {  	_ =	swait.ge [sflag:s9], $0x400  }
0x167: {  	[sflag:s9] =	ssyncset.done $0x0  }
0x168: {  	[sflag:s9] =	ssyncadd.s32 $0xFFFFFC00  }
0x169: {  	_ =	swait.ge [sflag:s9], $0x400  }
0x16a: {  	[sflag:s9] =	ssyncset.done $0x0  }
0x16b: {  	[sflag:s9] =	ssyncadd.s32 $0xFFFFFC00  }
0x16c: {  	_ =	swait.ge [sflag:s9], $0x400  }
0x16d: {  	[sflag:s9] =	ssyncset.done $0x0  }
0x16e: {  	[sflag:s9] =	ssyncadd.s32 $0xFFFFFC00  }
0x16f: {  	_ =	swait.ge [sflag:s9], $0x400  }
0x170: {  	[sflag:s9] =	ssyncset.done $0x0  }
0x171: {  	[sflag:s9] =	ssyncadd.s32 $0xFFFFFC00  }
0x172: {  	_ =	swait.ge [sflag:s9], $0x400  }
0x173: {  	[sflag:s9] =	ssyncset.done $0x0  }
0x174: {  	[sflag:s9] =	ssyncadd.s32 $0xFFFFFC00  }
0x175: {  	s0 =	sadd.s32 $0x2, s15;
	_ =	swait.ge [sflag:s9], $0x400  }
0x176: {  	p2 =	slt.s32 s0, $0x2D;
	[sflag:s9] =	ssyncset.done $0x0  }
0x177: {  	s14 =	sadd.s32 $0x80, s23;
	s0 =	simm.s32 @!p2 $0x2D;
	[sflag:s9] =	ssyncadd.s32 $0xFFFFFC00  }
0x178: {  	[spmem:s2] =	stream.indirect.scatter.add.f32 [tilespmem:s17], [sflag:$0x4], $0x80, s14, s10, $0xb8;
	[tilespmem:$0x1EEB8] =	vst v63  }
0x179: {  	s0 =	sshll.u32 s0, $0xB;
	_ =	swait.ge [sflag:s19], $0x2000  }
0x17a: {  	s0 =	sadd.s32 s0, s11;
	[sflag:s19] =	ssyncset.done $0x0  }
0x17b: {  	s0 =	sadd.s32 $0x1000, s0;
	[sflag:s19] =	ssyncadd.s32 $0xFFFFE000  }
0x17c: {  	[spmem:s3] =	stream.indirect.scatter.add.s16 [tilespmem:s21], [sflag:$0x3], $0x8, s14, s10, $0xb8;
	[tilespmem:$0x1EEB8] =	vst v63  }
0x17d: {  	s11 =	sadd.s32 s0, s8  }
0x17e: {  	[tilespmem:s17], [sflag:$0x1] =	stream.linear.gather [hbm4b:s11+s4], $0x400, $0x38;
	[tilespmem:$0x1EEB8] =	vst v63  }
0x17f: {  	s25 =	smov.u32 s16;
	s16 =	sadd.s32 s16, s0  }
0x180: {  	[tilespmem:s31], [sflag:$0x1] =	stream.linear.gather [hbm4b:s16+s4], $0x400, $0x38;
	[tilespmem:$0x1EEB8] =	vst v63  }
0x181: {  	s18 =	sadd.s32 s20, s0  }
0x182: {  	[tilespmem:s5], [sflag:$0x1] =	stream.linear.gather [hbm4b:s18+s4], $0x400, $0x38;
	[tilespmem:$0x1EEB8] =	vst v63  }
0x183: {  	s28 =	smov.u32 s20;
	s20 =	sadd.s32 s22, s0  }
0x184: {  	[tilespmem:s6], [sflag:$0x1] =	stream.linear.gather [hbm4b:s20+s4], $0x400, $0x38;
	[tilespmem:$0x1EEB8] =	vst v63  }
0x185: {  	s23 =	sadd.s32 s29, s0;
	s6 =	smov.u32 s29;
	s29 =	simm.s32 $0x1BCB8  }
0x186: {  	[tilespmem:s29], [sflag:$0x1] =	stream.linear.gather [hbm4b:s23+s4], $0x400, $0x38;
	[tilespmem:$0x1EEB8] =	vst v63  }
0x187: {  	s24 =	smov.u32 s8;
	s8 =	sadd.s32 s30, s0;
	s11 =	simm.s32 $0x1C0B8  }
0x188: {  	[tilespmem:s11], [sflag:$0x1] =	stream.linear.gather [hbm4b:s8+s4], $0x400, $0x38;
	[tilespmem:$0x1EEB8] =	vst v63  }
0x189: {  	s16 =	sadd.s32 s1, s0;
	s18 =	simm.s32 $0x1C4B8  }
0x18a: {  	[tilespmem:s18], [sflag:$0x1] =	stream.linear.gather [hbm4b:s16+s4], $0x400, $0x38;
	[tilespmem:$0x1EEB8] =	vst v63  }
0x18b: {  	s0 =	sadd.s32 s7, s0;
	s23 =	simm.s32 $0x1C8B8  }
0x18c: {  	[tilespmem:s23], [sflag:$0x1] =	stream.linear.gather [hbm4b:s0+s4], $0x400, $0x38;
	[tilespmem:$0x1EEB8] =	vst v63  }
0x18d: {  	_ =	swait.ge [sflag:s12], $0x400  }
0x18e: {  	[sflag:s12] =	ssyncset.done $0x0  }
0x18f: {  	[sflag:s12] =	ssyncadd.s32 $0xFFFFFC00  }
0x190: {  	_ =	swait.ge [sflag:s12], $0x400  }
0x191: {  	[sflag:s12] =	ssyncset.done $0x0  }
0x192: {  	[sflag:s12] =	ssyncadd.s32 $0xFFFFFC00  }
0x193: {  	_ =	swait.ge [sflag:s12], $0x400  }
0x194: {  	[sflag:s12] =	ssyncset.done $0x0  }
0x195: {  	[sflag:s12] =	ssyncadd.s32 $0xFFFFFC00  }
0x196: {  	_ =	swait.ge [sflag:s12], $0x400  }
0x197: {  	[sflag:s12] =	ssyncset.done $0x0  }
0x198: {  	[sflag:s12] =	ssyncadd.s32 $0xFFFFFC00  }
0x199: {  	_ =	swait.ge [sflag:s12], $0x400  }
0x19a: {  	[sflag:s12] =	ssyncset.done $0x0  }
0x19b: {  	[sflag:s12] =	ssyncadd.s32 $0xFFFFFC00  }
0x19c: {  	_ =	swait.ge [sflag:s12], $0x400  }
0x19d: {  	[sflag:s12] =	ssyncset.done $0x0  }
0x19e: {  	[sflag:s12] =	ssyncadd.s32 $0xFFFFFC00  }
0x19f: {  	_ =	swait.ge [sflag:s12], $0x400  }
0x1a0: {  	[sflag:s12] =	ssyncset.done $0x0  }
0x1a1: {  	[sflag:s12] =	ssyncadd.s32 $0xFFFFFC00  }
0x1a2: {  	_ =	swait.ge [sflag:s12], $0x400  }
0x1a3: {  	[sflag:s12] =	ssyncset.done $0x0  }
0x1a4: {  	s29 =	sadd.s32 $0x40, s14;
	[sflag:s12] =	ssyncadd.s32 $0xFFFFFC00  }
0x1a5: {  	[spmem:s2] =	stream.indirect.scatter.add.f32 [tilespmem:s26], [sflag:$0x4], $0x80, s29, s10, $0xb8;
	[tilespmem:$0x1EEB8] =	vst v63  }
0x1a6: {  	_ =	swait.ge [sflag:s19], $0x2000  }
0x1a7: {  	[sflag:s19] =	ssyncset.done $0x0  }
0x1a8: {  	[sflag:s19] =	ssyncadd.s32 $0xFFFFE000  }
0x1a9: {  	[spmem:s3] =	stream.indirect.scatter.add.s16 [tilespmem:s21], [sflag:$0x3], $0x8, s29, s10, $0xb8;
	[tilespmem:$0x1EEB8] =	vst v63  }
0x1aa: {  	_ =	swait.ge [sflag:s9], $0x400  }
0x1ab: {  	[sflag:s9] =	ssyncset.done $0x0  }
0x1ac: {  	[sflag:s9] =	ssyncadd.s32 $0xFFFFFC00  }
0x1ad: {  	_ =	swait.ge [sflag:s9], $0x400  }
0x1ae: {  	[sflag:s9] =	ssyncset.done $0x0  }
0x1af: {  	[sflag:s9] =	ssyncadd.s32 $0xFFFFFC00  }
0x1b0: {  	_ =	swait.ge [sflag:s9], $0x400  }
0x1b1: {  	[sflag:s9] =	ssyncset.done $0x0  }
0x1b2: {  	[sflag:s9] =	ssyncadd.s32 $0xFFFFFC00  }
0x1b3: {  	_ =	swait.ge [sflag:s9], $0x400  }
0x1b4: {  	[sflag:s9] =	ssyncset.done $0x0  }
0x1b5: {  	[sflag:s9] =	ssyncadd.s32 $0xFFFFFC00  }
0x1b6: {  	_ =	swait.ge [sflag:s9], $0x400  }
0x1b7: {  	[sflag:s9] =	ssyncset.done $0x0  }
0x1b8: {  	[sflag:s9] =	ssyncadd.s32 $0xFFFFFC00  }
0x1b9: {  	_ =	swait.ge [sflag:s9], $0x400  }
0x1ba: {  	[sflag:s9] =	ssyncset.done $0x0  }
0x1bb: {  	[sflag:s9] =	ssyncadd.s32 $0xFFFFFC00  }
0x1bc: {  	_ =	swait.ge [sflag:s9], $0x400  }
0x1bd: {  	[sflag:s9] =	ssyncset.done $0x0  }
0x1be: {  	[sflag:s9] =	ssyncadd.s32 $0xFFFFFC00  }
0x1bf: {  	_ =	swait.ge [sflag:s9], $0x400  }
0x1c0: {  	[sflag:s9] =	ssyncset.done $0x0  }
0x1c1: {  	s5 =	simm.s32 $0x1B8B8;
	s20 =	smov.u32 s30;
	[sflag:s9] =	ssyncadd.s32 $0xFFFFFC00  }
0x1c2: {  	s30 =	smov.u32 s7;
	s14 =	simm.s32 $0x2F;
	_ =	swait.ge [sflag:s13], $0x200  }
0x1c3: {  	s18 =	simm.s32 $0x1B4B8;
	s26 =	smov.u32 s22;
	[sflag:s13] =	ssyncset.done $0x0  }
.LBB2_8:
0x1c4: {  	p2 =	sne.s32 s14, $0x1;
	s14 =	sadd.s32 $0xFFFFFFFF, s14;
	[sflag:s13] =	ssyncadd.s32 $0xFFFFFE00  }
.Ltmp3:
0x1c5: {  	(pc) =	sbr.rel @p2 .LBB2_8-.Ltmp3, $3  }
0x1c6: {  	_ =	sdelay $0x1  }
0x1c7: {  	_ =	swait.ge [sflag:s13], $0x200  }
0x1c8: {  	[sflag:s13] =	ssyncset.done $0x0  }
0x1c9: {  	[sflag:s13] =	ssyncadd.s32 $0xFFFFFE00  }
0x1ca: {  	s0 =	simm.s32 @p1 $0x0;
	s14 =	simm.s32 @p1 $0x1ACB8;
	s15 =	rddreg [dreg:$0x13]  }
0x1cb: {  	[tilespmem:s14], [sflag:$0x4] =	stream.linear.gather @p1 [hbm4b:s15+s0], $0x400, $0x38;
	[tilespmem:$0x1EEB8] =	vst v63  }
0x1cc: {  	s0 =	simm.s32 @p1 $0x4  }
0x1cd: {  	_ =	swait.ge @p1 [sflag:s0], $0x400  }
0x1ce: {  	[sflag:s0] =	ssyncset.done @p1 $0x0  }
0x1cf: {  	s23 =	simm.s32 @p1 $0x1AC80;
	s15 =	simm.s32 @p1 $0x8;
	[sflag:s0] =	ssyncadd.s32 @p1 $0xFFFFFC00  }
0x1d0: {  	[spmem:s2] =	stream.indirect.scatter.add.f32 @p1 [tilespmem:s14], [sflag:$0x4], $0x80, s23, s15, $0xb8;
	[tilespmem:$0x1EEB8] =	vst v63  }
0x1d1: {  	_ =	swait.ge @p1 [sflag:s0], $0x400  }
0x1d2: {  	[sflag:s0] =	ssyncset.done @p1 $0x0  }
0x1d3: {  	s14 =	simm.s32 @p1 $0x1ECB8;
	[sflag:s0] =	ssyncadd.s32 @p1 $0xFFFFFC00  }
0x1d4: {  	[spmem:s3] =	stream.indirect.scatter.add.s16 @p1 [tilespmem:s14], [sflag:$0x4], $0x8, s23, s15, $0xb8;
	[tilespmem:$0x1EEB8] =	vst v63  }
0x1d5: {  	_ =	swait.ge @p1 [sflag:s0], $0x40  }
0x1d6: {  	s15 =	sld [smem:$0x7F4]  }
0x1d7: {  	s14 =	simm.s32 @!p1 $0x1ACB8;
	[sflag:s0] =	ssyncset.done @p1 $0x0  }
0x1d8: {  	s23 =	sld [smem:$0x7F5];
	[sflag:s0] =	ssyncadd.s32 @p1 $0xFFFFFFC0;
	s0 =	simm.s32 @!p1 $0x0  }
0x1d9: {  	[tilespmem:s14], [sflag:$0x1] =	stream.linear.gather @!p1 [hbm4b:s15+s0], $0x400, $0x38;
	[tilespmem:$0x1EEB8] =	vst v63  }
0x1da: {  	s15 =	simm.s32 @!p1 $0x1B0B8  }
0x1db: {  	[tilespmem:s15], [sflag:$0x1] =	stream.linear.gather @!p1 [hbm4b:s23+s0], $0x400, $0x38;
	[tilespmem:$0x1EEB8] =	vst v63  }
0x1dc: {  	s23 =	sld [smem:$0x7F6];
	_ =	sdelay $0x1  }
0x1dd: {  	s15 =	simm.s32 @!p1 $0x1B4B8  }
0x1de: {  	[tilespmem:s15], [sflag:$0x1] =	stream.linear.gather @!p1 [hbm4b:s23+s0], $0x400, $0x38;
	[tilespmem:$0x1EEB8] =	vst v63  }
0x1df: {  	s23 =	sld [smem:$0x7F7];
	_ =	sdelay $0x1  }
0x1e0: {  	s15 =	simm.s32 @!p1 $0x1B8B8  }
0x1e1: {  	[tilespmem:s15], [sflag:$0x1] =	stream.linear.gather @!p1 [hbm4b:s23+s0], $0x400, $0x38;
	[tilespmem:$0x1EEB8] =	vst v63  }
0x1e2: {  	s23 =	sld [smem:$0x7F8];
	_ =	sdelay $0x1  }
0x1e3: {  	s15 =	simm.s32 @!p1 $0x1BCB8  }
0x1e4: {  	[tilespmem:s15], [sflag:$0x1] =	stream.linear.gather @!p1 [hbm4b:s23+s0], $0x400, $0x38;
	[tilespmem:$0x1EEB8] =	vst v63  }
0x1e5: {  	s23 =	sld [smem:$0x7F9];
	_ =	sdelay $0x1  }
0x1e6: {  	s15 =	simm.s32 @!p1 $0x1C0B8  }
0x1e7: {  	[tilespmem:s15], [sflag:$0x1] =	stream.linear.gather @!p1 [hbm4b:s23+s0], $0x400, $0x38;
	[tilespmem:$0x1EEB8] =	vst v63  }
0x1e8: {  	s23 =	sld [smem:$0x7FA];
	_ =	sdelay $0x1  }
0x1e9: {  	s15 =	simm.s32 @!p1 $0x1C4B8  }
0x1ea: {  	[tilespmem:s15], [sflag:$0x1] =	stream.linear.gather @!p1 [hbm4b:s23+s0], $0x400, $0x38;
	[tilespmem:$0x1EEB8] =	vst v63  }
0x1eb: {  	s0 =	simm.s32 @!p1 $0x1  }
0x1ec: {  	_ =	swait.ge @!p1 [sflag:s0], $0x400  }
0x1ed: {  	[sflag:s0] =	ssyncset.done @!p1 $0x0  }
0x1ee: {  	[sflag:s0] =	ssyncadd.s32 @!p1 $0xFFFFFC00  }
0x1ef: {  	_ =	swait.ge @!p1 [sflag:s0], $0x400  }
0x1f0: {  	[sflag:s0] =	ssyncset.done @!p1 $0x0  }
0x1f1: {  	[sflag:s0] =	ssyncadd.s32 @!p1 $0xFFFFFC00  }
0x1f2: {  	_ =	swait.ge @!p1 [sflag:s0], $0x400  }
0x1f3: {  	[sflag:s0] =	ssyncset.done @!p1 $0x0  }
0x1f4: {  	[sflag:s0] =	ssyncadd.s32 @!p1 $0xFFFFFC00  }
0x1f5: {  	_ =	swait.ge @!p1 [sflag:s0], $0x400  }
0x1f6: {  	[sflag:s0] =	ssyncset.done @!p1 $0x0  }
0x1f7: {  	[sflag:s0] =	ssyncadd.s32 @!p1 $0xFFFFFC00  }
0x1f8: {  	_ =	swait.ge @!p1 [sflag:s0], $0x400  }
0x1f9: {  	[sflag:s0] =	ssyncset.done @!p1 $0x0  }
0x1fa: {  	[sflag:s0] =	ssyncadd.s32 @!p1 $0xFFFFFC00  }
0x1fb: {  	_ =	swait.ge @!p1 [sflag:s0], $0x400  }
0x1fc: {  	[sflag:s0] =	ssyncset.done @!p1 $0x0  }
0x1fd: {  	[sflag:s0] =	ssyncadd.s32 @!p1 $0xFFFFFC00  }
0x1fe: {  	_ =	swait.ge @!p1 [sflag:s0], $0x400  }
0x1ff: {  	[sflag:s0] =	ssyncset.done @!p1 $0x0  }
0x200: {  	s15 =	simm.s32 @!p1 $0x1AC80;
	[sflag:s0] =	ssyncadd.s32 @!p1 $0xFFFFFC00;
	s0 =	simm.s32 @!p1 $0x38  }
0x201: {  	[spmem:s2] =	stream.indirect.scatter.add.f32 @!p1 [tilespmem:s14], [sflag:$0x4], $0x80, s15, s0, $0xb8;
	[tilespmem:$0x1EEB8] =	vst v63  }
0x202: {  	s14 =	simm.s32 @!p1 $0x4  }
0x203: {  	_ =	swait.ge @!p1 [sflag:s14], $0x1C00  }
0x204: {  	[sflag:s14] =	ssyncset.done @!p1 $0x0  }
0x205: {  	s23 =	simm.s32 @!p1 $0x1ECB8;
	[sflag:s14] =	ssyncadd.s32 @!p1 $0xFFFFE400  }
0x206: {  	[spmem:s3] =	stream.indirect.scatter.add.s16 @!p1 [tilespmem:s23], [sflag:$0x4], $0x8, s15, s0, $0xb8;
	[tilespmem:$0x1EEB8] =	vst v63  }
0x207: {  	_ =	swait.ge @!p1 [sflag:s14], $0x1C0  }
0x208: {  	[sflag:s14] =	ssyncset.done @!p1 $0x0  }
0x209: {  	[sflag:s14] =	ssyncadd.s32 @!p1 $0xFFFFFE40  }
0x20a: {  	s14 =	stileid.u32;
	[bflag:$0x0] =	sbarrier.arrive $0xFFFF  }
0x20b: {  	s0 =	sshll.u32 s14, $0x6;
	s15 =	rddreg [dreg:$0x14]  }
0x20c: {  	s0 =	sor.u32 $0x1C04, s0;
	s16 =	rddreg [dreg:$0x1c]  }
0x20d: {  	[hbm:s15], [sflag:s0] =	dma.local [spmem:s16], $0x3100  }
0x20e: {  	_ =	swait.ge [sflag:s19], $0x3100  }
0x20f: {  	[sflag:s19] =	ssyncset.done $0x0;
	s14 =	rddreg [dreg:$0x15]  }
0x210: {  	s15 =	rddreg [dreg:$0x1d];
	[sflag:s19] =	ssyncadd.s32 $0xFFFFCF00  }
0x211: {  	[hbm:s14], [sflag:s0] =	dma.local @!p0 [spmem:s15], $0x310  }
0x212: {  	s0 =	simm.s32 @!p0 $0x4  }
0x213: {  	_ =	swait.ge @!p0 [sflag:s0], $0x310  }
0x214: {  	s22 =	sld [smem:$0x7F1];
	_ =	sdelay $0x2  }
0x215: {  	s23 =	rddreg [dreg:$0x16];
	s15 =	sadd.s32 $0x1, s22  }
0x216: {  	p2 =	sne.s32 s15, s23  }
.Ltmp4:
0x217: {  	_ = 	snop;
	(pc) =	sbr.rel @p2 .LBB2_1-.Ltmp4, $4  }
0x218: {  	s8 =	smov.u32 s24;
	s24 =	simm.s32 $0x1C0B8;
	s29 =	smov.u32 s6  }
0x219: {  	s7 =	smov.u32 s30;
	s6 =	simm.s32 $0x1CCB8;
	s30 =	smov.u32 s26  }
0x21a: {  	s16 =	smov.u32 s25;
	[sflag:s0] =	ssyncset.done @!p0 $0x0;
	s11 =	sld [smem:$0x7FB]  }
0x21b: {  	s25 =	simm.s32 $0x1C4B8;
	[sflag:s0] =	ssyncadd.s32 @!p0 $0xFFFFFCF0;
	s22 =	sld [smem:$0x7FC]  }
0x21c: {  	_ =	sfence.sel $0x180000  }
0x21d: {  	[bflag:$0x0] =	sbarrier.arrive $0xFFFF  }
0x21e: {  	_ =	strace $0x90000047  }
0x21f: {  	s0 =	stileid.u32;
	[bflag:$0x2] =	sbarrier.arrive $0xFFFF  }
0x220: {  	p0 =	sne.s32 s0, $0x0;
	s0 =	rddreg [dreg:$0x6]  }
0x221: {  	s0 =	sadd.s32 @!p0 $0x100000, s0  }
0x222: {  	[sflag:s0] =	ssyncadd.tile.s32 @!p0 $0x1;
	_ =	shalt  }
.Lfunc_end2:
_tile_overlayer_lowered:
.L_overlay_start_2:
0x223: {  	(tag) =	ssettag $0x2  }
0x224: {  	s0 =	rddreg [dreg:$0x0];
	s2 =	stileid.u32  }
0x225: {  	s1 =	rddreg [dreg:$0x1];
	p0 =	sne.s32 s2, $0x0  }
0x226: {  	s3 =	rddreg [dreg:$0x2];
	[bflag:$0x3] =	sbarrier.arrive $0xFFFF;
	s2 =	simm.s32 @!p0 $0x1C04  }
0x227: {  	[timem:s3], [sflag:s2] =	dma.local @!p0 [hbm:s0], s1  }
0x228: {  	s0 =	simm.s32 @!p0 $0x4  }
0x229: {  	_ =	swait.ge @!p0 [sflag:s0], s1  }
0x22a: {  	s1 =	ssub.s32 @!p0 $0x0, s1;
	[sflag:s0] =	ssyncset.done @!p0 $0x0  }
0x22b: {  	[sflag:s0] =	ssyncadd.s32 @!p0 s1  }
0x22c: {  	[bflag:$0x3] =	sbarrier.arrive $0xFFFF  }
0x22d: {  	_ =	shalt  }

</sc_bundles>
